<compile_context>
chip_gen: v7x
topology: tpu7x:2x2x1
jax: 0.10.2.dev20260603
libtpu: 0.0.44.dev20260713+nightly
codegen_flags: <defaults>
</compile_context>

<pallas_src>
import functools

import jax
import jax.numpy as jnp
from jax import lax
from jax.experimental import pallas as pl
from jax.experimental.pallas import tpu as pltpu
from jax.experimental.pallas import tpu_sc as plsc

N = 10000
E = 160000
R = 3
D = 256
EPS = 1e-5

NC = 2
NS = 16
CH = 128
HALF = D // 2
NP_NODES = 10240
ROWS_PER_TILE = NP_NODES // NS

M = R * E
KB = 24
K = -(-(-(-M // (NS * CH))) // KB) * KB
NB = K // KB
MP = NS * K * CH


def _mm_body(hv_ref, w_ref, b_ref, out_ref):
    hvr = (
        jnp.dot(hv_ref[...], w_ref[0], preferred_element_type=jnp.float32)
        + b_ref[0, 0][None, :]
    )
    out_ref[0] = hvr[:, :HALF]
    out_ref[1] = hvr[:, HALF:]


def _make_table(hv, W, b):
    BN = 400
    nb = N // BN
    return pl.pallas_call(
        _mm_body,
        grid=(R, nb),
        in_specs=[
            pl.BlockSpec((BN, D), lambda r, i: (i, 0)),
            pl.BlockSpec((1, D, D), lambda r, i: (r, 0, 0)),
            pl.BlockSpec((1, 1, D), lambda r, i: (r, 0, 0)),
        ],
        out_specs=pl.BlockSpec((NC, BN, HALF), lambda r, i: (0, r * nb + i, 0)),
        out_shape=jax.ShapeDtypeStruct((NC, R * N, HALF), jnp.float32),
    )(hv, W, b.reshape(R, 1, D))


NSB = NB // 2


def _sc_body(table_hbm, src_hbm, dst_hbm, zeros_hbm, eu_hbm,
             src_a, dst_a, src_b, dst_b, rows0, rows1, acc,
             g0, g1, s0, s1, ia, ib):
    c = 1 - lax.axis_index("c")
    s = lax.axis_index("s")
    table = table_hbm.at[c]
    dummy = table.at[pl.ds(0, CH)]
    idummy = src_hbm.at[s].at[pl.ds(0, KB)]
    src_slab = src_hbm.at[s]
    dst_slab = dst_hbm.at[s]
    LAST = KB // 2 - 1

    def stage(blk, sv, dv, sem):
        pltpu.async_copy(src_slab.at[pl.ds(blk * KB, KB)], sv, sem)
        pltpu.async_copy(dst_slab.at[pl.ds(blk * KB, KB)], dv, sem)

    def wait_stage(sv, dv, sem):
        pltpu.make_async_copy(idummy, sv, sem).wait()
        pltpu.make_async_copy(idummy, dv, sem).wait()

    def fire(sv, j, buf, sem):
        pltpu.async_copy(table.at[sv.at[j]], buf, sem)

    stage(0, src_a, dst_a, ia)
    stage(1, src_b, dst_b, ib)
    pltpu.sync_copy(zeros_hbm, rows0)
    for k in range(ROWS_PER_TILE // CH):
        pltpu.sync_copy(rows0, acc.at[pl.ds(s * ROWS_PER_TILE + k * CH, CH)])
    plsc.subcore_barrier()
    wait_stage(src_a, dst_a, ia)
    fire(src_a, 0, rows0, g0)
    fire(src_a, 1, rows1, g1)

    def block_pairs(sv, dv, nsv, ndv, stage_sem, has_next):
        def pair(p, carry):
            j0 = 2 * p
            j1 = j0 + 1
            pltpu.make_async_copy(dummy, rows0, g0).wait()
            d0 = pltpu.async_copy(rows0, acc.at[dv.at[j0]], s0, add=True)
            pltpu.make_async_copy(dummy, rows1, g1).wait()
            d1 = pltpu.async_copy(rows1, acc.at[dv.at[j1]], s1, add=True)
            d0.wait()

            @pl.when(p < LAST)
            def _():
                fire(sv, j0 + 2, rows0, g0)

            @pl.when((p == LAST) & has_next)
            def _():
                wait_stage(nsv, ndv, stage_sem)
                fire(nsv, 0, rows0, g0)

            d1.wait()

            @pl.when(p < LAST)
            def _():
                fire(sv, j1 + 2, rows1, g1)

            @pl.when((p == LAST) & has_next)
            def _():
                fire(nsv, 1, rows1, g1)

            return carry

        return lax.fori_loop(0, KB // 2, pair, 0)

    def superblock(sb, carry):
        true_ = sb >= 0
        block_pairs(src_a, dst_a, src_b, dst_b, ib, true_)
        @pl.when(sb < NSB - 1)
        def _():
            stage(2 * sb + 2, src_a, dst_a, ia)

        block_pairs(src_b, dst_b, src_a, dst_a, ia, sb < NSB - 1)

        @pl.when(sb < NSB - 1)
        def _():
            stage(2 * sb + 3, src_b, dst_b, ib)

        return carry

    lax.fori_loop(0, NSB, superblock, 0)
    plsc.subcore_barrier()
    pltpu.sync_copy(
        acc.at[pl.ds(s * ROWS_PER_TILE, ROWS_PER_TILE)],
        eu_hbm.at[c].at[pl.ds(s * ROWS_PER_TILE, ROWS_PER_TILE)],
    )


_sc_scatter = functools.partial(
    pl.kernel,
    out_type=jax.ShapeDtypeStruct((NC, NP_NODES, HALF), jnp.float32),
    mesh=plsc.VectorSubcoreMesh(core_axis_name="c", subcore_axis_name="s"),
    scratch_types=[
        pltpu.VMEM((KB, CH), jnp.int32),
        pltpu.VMEM((KB, CH), jnp.int32),
        pltpu.VMEM((KB, CH), jnp.int32),
        pltpu.VMEM((KB, CH), jnp.int32),
        pltpu.VMEM((CH, HALF), jnp.float32),
        pltpu.VMEM((CH, HALF), jnp.float32),
        pltpu.VMEM_SHARED((NP_NODES, HALF), jnp.float32),
        pltpu.SemaphoreType.DMA,
        pltpu.SemaphoreType.DMA,
        pltpu.SemaphoreType.DMA,
        pltpu.SemaphoreType.DMA,
        pltpu.SemaphoreType.DMA,
        pltpu.SemaphoreType.DMA,
    ],
)(_sc_body)


def _bn_body(eu_ref, hv_ref, g_ref, be_ref, out_ref, acc_ref):
    p = pl.program_id(0)
    i = pl.program_id(1)

    @pl.when((p == 0) & (i == 0))
    def _():
        acc_ref[...] = jnp.zeros_like(acc_ref)

    @pl.when(p == 0)
    def _():
        x = eu_ref[...]
        acc_ref[0] += jnp.sum(x, axis=1)
        acc_ref[1] += jnp.sum(x * x, axis=1)

    @pl.when(p == 1)
    def _():
        mean = acc_ref[0] / N
        var = acc_ref[1] / N - mean * mean
        inv = lax.rsqrt(var + EPS) * g_ref[...]
        for c in range(NC):
            hu = ((eu_ref[c] - mean[c][None, :]) * inv[c][None, :]
                  + be_ref[c][None, :])
            out_ref[:, c * HALF:(c + 1) * HALF] = (
                jnp.maximum(hu, 0.0) + hv_ref[:, c * HALF:(c + 1) * HALF]
            )


def _batchnorm(eu, hv, g2, be2):
    BN = 400
    nb = N // BN
    return pl.pallas_call(
        _bn_body,
        grid=(2, nb),
        in_specs=[
            pl.BlockSpec((NC, BN, HALF), lambda p, i: (0, i, 0)),
            pl.BlockSpec((BN, D), lambda p, i: (i, 0)),
            pl.BlockSpec((NC, HALF), lambda p, i: (0, 0)),
            pl.BlockSpec((NC, HALF), lambda p, i: (0, 0)),
        ],
        out_specs=pl.BlockSpec((BN, D), lambda p, i: (i, 0)),
        out_shape=jax.ShapeDtypeStruct((N, D), jnp.float32),
        scratch_shapes=[pltpu.VMEM((2, NC, HALF), jnp.float32)],
    )(eu, hv, g2, be2)


def kernel(hv, edge_index, W, b, gamma, beta):
    roff = jnp.arange(R, dtype=jnp.int32)[:, None] * N
    src_flat = (edge_index[:, 0, :] + roff).reshape(-1)
    dst_flat = edge_index[:, 1, :].reshape(-1)
    src_pad = jnp.concatenate(
        [src_flat, jnp.zeros((MP - M,), jnp.int32)]).reshape(NS, K, CH)
    dst_pad = jnp.concatenate(
        [dst_flat, jnp.full((MP - M,), N, jnp.int32)]).reshape(NS, K, CH)
    zeros = jnp.zeros((CH, HALF), jnp.float32)

    table = _make_table(hv, W, b)
    eu = _sc_scatter(table, src_pad, dst_pad, zeros)
    g2 = gamma.reshape(NC, HALF)
    be2 = beta.reshape(NC, HALF)
    return _batchnorm(eu, hv, g2, be2)

# --- scband reference (transcript-rebuilt; emitter-appended) ---
"""Pipeline reference for scband-gear-net-base-layer-89481348645570 (READ-ONLY COPY).

The authoritative reference and input builder live on the scoring server;
editing this copy changes nothing except your own understanding.
"""

import jax, jax.numpy as jnp
import numpy as np

N = 10000
E = 160000
R = 3
D = 256
EPS = 1e-5

def setup_inputs(seed: int = 0) -> dict:
    key = jax.random.key(seed)
    ks = jax.random.split(key, 6)
    hv = jax.random.normal(ks[0], (N, D), dtype=jnp.float32)
    edge_index = jax.random.randint(ks[1], (R, 2, E), 0, N, dtype=jnp.int32)
    W = jax.random.normal(ks[2], (R, D, D), dtype=jnp.float32) / np.sqrt(D)
    b = jax.random.normal(ks[3], (R, D), dtype=jnp.float32) * 0.01
    gamma = jnp.ones((D,), dtype=jnp.float32)
    beta = jnp.zeros((D,), dtype=jnp.float32)
    return {"hv": hv, "edge_index": edge_index, "W": W, "b": b, "gamma": gamma, "beta": beta}


def reference(hv, edge_index, W, b, gamma, beta):
    # GearNetBaseLayer.vanilla_forward:
    # for each relation r: hv_r = kernel1[r](hv); message = copy_u(hv_r); eu_sum = sum over all relations
    eu_sum = jnp.zeros((N, D), dtype=hv.dtype)
    for r in range(R):
        hvr = hv @ W[r] + b[r]                      # per-relation Linear kernel1[str(r)]
        src = edge_index[r, 0]
        dst = edge_index[r, 1]
        msg = jnp.take(hvr, src, axis=0)            # fn.copy_u
        eu_sum = eu_sum + jax.ops.segment_sum(msg, dst, num_segments=N)  # fn.sum + multi_update_all('sum')
    # original_graph_update: relu(bn1(eu_sum)) (BatchNorm1d with batch statistics; dropout = identity in eval)
    mean = jnp.mean(eu_sum, axis=0)
    var = jnp.var(eu_sum, axis=0)
    hu = gamma * (eu_sum - mean) / jnp.sqrt(var + EPS) + beta
    hu = jax.nn.relu(hu)
    # node_update with last_layer=True: hv = hu + hv (residual)
    return hu + hv

if __name__ == "__main__":
    import jax
    _d = setup_inputs()
    print(jax.jit(kernel)(*tuple(_d.values())))

</pallas_src>

<mosaic_0001>
#map = affine_map<(d0, d1) -> (0, 0, 0)>
#map1 = affine_map<(d0, d1) -> (0, 0)>
module attributes {stable_mosaic.version = 14 : i64} {
  func.func @_sc_body(%arg0: i32, %arg1: i32, %arg2: memref<2x30000x128xf32, #tpu.memory_space<hbm>>, %arg3: memref<16x240x128xi32, #tpu.memory_space<hbm>>, %arg4: memref<16x240x128xi32, #tpu.memory_space<hbm>>, %arg5: memref<128x128xf32, #tpu.memory_space<hbm>>, %arg6: memref<2x10240x128xf32, #tpu.memory_space<hbm>>, %arg7: memref<24x128xi32, #tpu.memory_space<vmem>>, %arg8: memref<24x128xi32, #tpu.memory_space<vmem>>, %arg9: memref<24x128xi32, #tpu.memory_space<vmem>>, %arg10: memref<24x128xi32, #tpu.memory_space<vmem>>, %arg11: memref<128x128xf32, #tpu.memory_space<vmem>>, %arg12: memref<128x128xf32, #tpu.memory_space<vmem>>, %arg13: memref<10240x128xf32, #tpu.memory_space<vmem_shared>>, %arg14: memref<!tpu.dma_semaphore, #tpu.memory_space<semaphore_mem>>, %arg15: memref<!tpu.dma_semaphore, #tpu.memory_space<semaphore_mem>>, %arg16: memref<!tpu.dma_semaphore, #tpu.memory_space<semaphore_mem>>, %arg17: memref<!tpu.dma_semaphore, #tpu.memory_space<semaphore_mem>>, %arg18: memref<!tpu.dma_semaphore, #tpu.memory_space<semaphore_mem>>, %arg19: memref<!tpu.dma_semaphore, #tpu.memory_space<semaphore_mem>>) attributes {dimension_semantics = [#tpu.dimension_semantics<core_parallel>, #tpu.dimension_semantics<subcore_parallel>], iteration_bounds = array<i64: 2, 16>, scalar_prefetch = 0 : i64, scratch_operands = 13 : i64, tpu.core_type = #tpu.core_type<sc_vector_subcore>, window_params = [{transform_indices = #map}, {transform_indices = #map}, {transform_indices = #map}, {transform_indices = #map1}, {transform_indices = #map}]} {
    %sub3A = arith.constant 1 : i32
    %sub3A_0 = arith.subi %sub3A, %arg0 : i32
    %dma_start3A = arith.constant 0 : i32
    %dma_start3A_1 = arith.constant 0 : i32
    %dma_start3A_2 = tpu.memref_slice %arg3[%arg1, %dma_start3A, %dma_start3A_1] : memref<16x240x128xi32, #tpu.memory_space<hbm>> -> memref<1x240x128xi32, #tpu.memory_space<hbm>>
    %dma_start3A_3 = tpu.memref_squeeze %dma_start3A_2 : memref<1x240x128xi32, #tpu.memory_space<hbm>> -> memref<240x128xi32, #tpu.memory_space<hbm>>
    %dma_start3A_4 = arith.constant 0 : i32
    %dma_start3A_5 = arith.constant 0 : i32
    %dma_start3A_6 = tpu.memref_slice %dma_start3A_3[%dma_start3A_4, %dma_start3A_5] : memref<240x128xi32, #tpu.memory_space<hbm>> -> memref<24x128xi32, #tpu.memory_space<hbm>>
    %dma_start3A_7 = arith.constant 0 : i32
    %dma_start3A_8 = arith.constant 0 : i32
    %dma_start3A_9 = tpu.memref_slice %arg3[%arg1, %dma_start3A_7, %dma_start3A_8] : memref<16x240x128xi32, #tpu.memory_space<hbm>> -> memref<1x240x128xi32, #tpu.memory_space<hbm>>
    %dma_start3A_10 = tpu.memref_squeeze %dma_start3A_9 : memref<1x240x128xi32, #tpu.memory_space<hbm>> -> memref<240x128xi32, #tpu.memory_space<hbm>>
    %dma_start3A_11 = arith.constant 0 : i32
    %dma_start3A_12 = arith.constant 0 : i32
    %dma_start3A_13 = tpu.memref_slice %dma_start3A_10[%dma_start3A_11, %dma_start3A_12] : memref<240x128xi32, #tpu.memory_space<hbm>> -> memref<24x128xi32, #tpu.memory_space<hbm>>
    tpu.enqueue_dma source(%dma_start3A_13 : memref<24x128xi32, #tpu.memory_space<hbm>>) target(%arg7 : memref<24x128xi32, #tpu.memory_space<vmem>>) target_semaphore(%arg18 : memref<!tpu.dma_semaphore, #tpu.memory_space<semaphore_mem>>)
    %dma_start3A_14 = arith.constant 0 : i32
    %dma_start3A_15 = arith.constant 0 : i32
    %dma_start3A_16 = tpu.memref_slice %arg4[%arg1, %dma_start3A_14, %dma_start3A_15] : memref<16x240x128xi32, #tpu.memory_space<hbm>> -> memref<1x240x128xi32, #tpu.memory_space<hbm>>
    %dma_start3A_17 = tpu.memref_squeeze %dma_start3A_16 : memref<1x240x128xi32, #tpu.memory_space<hbm>> -> memref<240x128xi32, #tpu.memory_space<hbm>>
    %dma_start3A_18 = arith.constant 0 : i32
    %dma_start3A_19 = arith.constant 0 : i32
    %dma_start3A_20 = tpu.memref_slice %dma_start3A_17[%dma_start3A_18, %dma_start3A_19] : memref<240x128xi32, #tpu.memory_space<hbm>> -> memref<24x128xi32, #tpu.memory_space<hbm>>
    %dma_start3A_21 = arith.constant 0 : i32
    %dma_start3A_22 = arith.constant 0 : i32
    %dma_start3A_23 = tpu.memref_slice %arg4[%arg1, %dma_start3A_21, %dma_start3A_22] : memref<16x240x128xi32, #tpu.memory_space<hbm>> -> memref<1x240x128xi32, #tpu.memory_space<hbm>>
    %dma_start3A_24 = tpu.memref_squeeze %dma_start3A_23 : memref<1x240x128xi32, #tpu.memory_space<hbm>> -> memref<240x128xi32, #tpu.memory_space<hbm>>
    %dma_start3A_25 = arith.constant 0 : i32
    %dma_start3A_26 = arith.constant 0 : i32
    %dma_start3A_27 = tpu.memref_slice %dma_start3A_24[%dma_start3A_25, %dma_start3A_26] : memref<240x128xi32, #tpu.memory_space<hbm>> -> memref<24x128xi32, #tpu.memory_space<hbm>>
    tpu.enqueue_dma source(%dma_start3A_27 : memref<24x128xi32, #tpu.memory_space<hbm>>) target(%arg8 : memref<24x128xi32, #tpu.memory_space<vmem>>) target_semaphore(%arg18 : memref<!tpu.dma_semaphore, #tpu.memory_space<semaphore_mem>>)
    %dma_start3A_28 = arith.constant 0 : i32
    %dma_start3A_29 = arith.constant 0 : i32
    %dma_start3A_30 = tpu.memref_slice %arg3[%arg1, %dma_start3A_28, %dma_start3A_29] : memref<16x240x128xi32, #tpu.memory_space<hbm>> -> memref<1x240x128xi32, #tpu.memory_space<hbm>>
    %dma_start3A_31 = tpu.memref_squeeze %dma_start3A_30 : memref<1x240x128xi32, #tpu.memory_space<hbm>> -> memref<240x128xi32, #tpu.memory_space<hbm>>
    %dma_start3A_32 = arith.constant 24 : i32
    %dma_start3A_33 = arith.constant 0 : i32
    %dma_start3A_34 = tpu.memref_slice %dma_start3A_31[%dma_start3A_32, %dma_start3A_33] : memref<240x128xi32, #tpu.memory_space<hbm>> -> memref<24x128xi32, #tpu.memory_space<hbm>>
    %dma_start3A_35 = arith.constant 0 : i32
    %dma_start3A_36 = arith.constant 0 : i32
    %dma_start3A_37 = tpu.memref_slice %arg3[%arg1, %dma_start3A_35, %dma_start3A_36] : memref<16x240x128xi32, #tpu.memory_space<hbm>> -> memref<1x240x128xi32, #tpu.memory_space<hbm>>
    %dma_start3A_38 = tpu.memref_squeeze %dma_start3A_37 : memref<1x240x128xi32, #tpu.memory_space<hbm>> -> memref<240x128xi32, #tpu.memory_space<hbm>>
    %dma_start3A_39 = arith.constant 24 : i32
    %dma_start3A_40 = arith.constant 0 : i32
    %dma_start3A_41 = tpu.memref_slice %dma_start3A_38[%dma_start3A_39, %dma_start3A_40] : memref<240x128xi32, #tpu.memory_space<hbm>> -> memref<24x128xi32, #tpu.memory_space<hbm>>
    tpu.enqueue_dma source(%dma_start3A_41 : memref<24x128xi32, #tpu.memory_space<hbm>>) target(%arg9 : memref<24x128xi32, #tpu.memory_space<vmem>>) target_semaphore(%arg19 : memref<!tpu.dma_semaphore, #tpu.memory_space<semaphore_mem>>)
    %dma_start3A_42 = arith.constant 0 : i32
    %dma_start3A_43 = arith.constant 0 : i32
    %dma_start3A_44 = tpu.memref_slice %arg4[%arg1, %dma_start3A_42, %dma_start3A_43] : memref<16x240x128xi32, #tpu.memory_space<hbm>> -> memref<1x240x128xi32, #tpu.memory_space<hbm>>
    %dma_start3A_45 = tpu.memref_squeeze %dma_start3A_44 : memref<1x240x128xi32, #tpu.memory_space<hbm>> -> memref<240x128xi32, #tpu.memory_space<hbm>>
    %dma_start3A_46 = arith.constant 24 : i32
    %dma_start3A_47 = arith.constant 0 : i32
    %dma_start3A_48 = tpu.memref_slice %dma_start3A_45[%dma_start3A_46, %dma_start3A_47] : memref<240x128xi32, #tpu.memory_space<hbm>> -> memref<24x128xi32, #tpu.memory_space<hbm>>
    %dma_start3A_49 = arith.constant 0 : i32
    %dma_start3A_50 = arith.constant 0 : i32
    %dma_start3A_51 = tpu.memref_slice %arg4[%arg1, %dma_start3A_49, %dma_start3A_50] : memref<16x240x128xi32, #tpu.memory_space<hbm>> -> memref<1x240x128xi32, #tpu.memory_space<hbm>>
    %dma_start3A_52 = tpu.memref_squeeze %dma_start3A_51 : memref<1x240x128xi32, #tpu.memory_space<hbm>> -> memref<240x128xi32, #tpu.memory_space<hbm>>
    %dma_start3A_53 = arith.constant 24 : i32
    %dma_start3A_54 = arith.constant 0 : i32
    %dma_start3A_55 = tpu.memref_slice %dma_start3A_52[%dma_start3A_53, %dma_start3A_54] : memref<240x128xi32, #tpu.memory_space<hbm>> -> memref<24x128xi32, #tpu.memory_space<hbm>>
    tpu.enqueue_dma source(%dma_start3A_55 : memref<24x128xi32, #tpu.memory_space<hbm>>) target(%arg10 : memref<24x128xi32, #tpu.memory_space<vmem>>) target_semaphore(%arg19 : memref<!tpu.dma_semaphore, #tpu.memory_space<semaphore_mem>>)
    "tpu.region"() ({
      %run_scoped3A = tpu.sem_alloc : memref<!tpu.dma_semaphore, #tpu.memory_space<semaphore_mem>>
      tpu.enqueue_dma source(%arg5 : memref<128x128xf32, #tpu.memory_space<hbm>>) target(%arg11 : memref<128x128xf32, #tpu.memory_space<vmem>>) target_semaphore(%run_scoped3A : memref<!tpu.dma_semaphore, #tpu.memory_space<semaphore_mem>>)
      tpu.wait_dma2 semaphore(%run_scoped3A : memref<!tpu.dma_semaphore, #tpu.memory_space<semaphore_mem>>) src(%arg5 : memref<128x128xf32, #tpu.memory_space<hbm>>) dst(%arg11 : memref<128x128xf32, #tpu.memory_space<vmem>>)
      tpu.yield
    }) : () -> ()
    %mul3A = arith.constant 640 : i32
    %mul3A_56 = arith.muli %arg1, %mul3A : i32
    %add3A = arith.constant 0 : i32
    %add3A_57 = arith.addi %mul3A_56, %add3A : i32
    "tpu.region"() ({
      %run_scoped3A = tpu.sem_alloc : memref<!tpu.dma_semaphore, #tpu.memory_space<semaphore_mem>>
      %dma_start3A_133 = arith.constant 0 : i32
      %dma_start3A_134 = tpu.memref_slice %arg13[%add3A_57, %dma_start3A_133] : memref<10240x128xf32, #tpu.memory_space<vmem_shared>> -> memref<128x128xf32, #tpu.memory_space<vmem_shared>>
      %dma_start3A_135 = arith.constant 0 : i32
      %dma_start3A_136 = tpu.memref_slice %arg13[%add3A_57, %dma_start3A_135] : memref<10240x128xf32, #tpu.memory_space<vmem_shared>> -> memref<128x128xf32, #tpu.memory_space<vmem_shared>>
      tpu.enqueue_dma source(%arg11 : memref<128x128xf32, #tpu.memory_space<vmem>>) target(%dma_start3A_136 : memref<128x128xf32, #tpu.memory_space<vmem_shared>>) target_semaphore(%run_scoped3A : memref<!tpu.dma_semaphore, #tpu.memory_space<semaphore_mem>>)
      %dma_wait3A_137 = arith.constant 0 : i32
      %dma_wait3A_138 = tpu.memref_slice %arg13[%add3A_57, %dma_wait3A_137] : memref<10240x128xf32, #tpu.memory_space<vmem_shared>> -> memref<128x128xf32, #tpu.memory_space<vmem_shared>>
      %dma_wait3A_139 = arith.constant 0 : i32
      %dma_wait3A_140 = tpu.memref_slice %arg13[%add3A_57, %dma_wait3A_139] : memref<10240x128xf32, #tpu.memory_space<vmem_shared>> -> memref<128x128xf32, #tpu.memory_space<vmem_shared>>
      tpu.wait_dma2 semaphore(%run_scoped3A : memref<!tpu.dma_semaphore, #tpu.memory_space<semaphore_mem>>) src(%arg11 : memref<128x128xf32, #tpu.memory_space<vmem>>) dst(%dma_wait3A_140 : memref<128x128xf32, #tpu.memory_space<vmem_shared>>)
      tpu.yield
    }) : () -> ()
    %mul3A_58 = arith.constant 640 : i32
    %mul3A_59 = arith.muli %arg1, %mul3A_58 : i32
    %add3A_60 = arith.constant 128 : i32
    %add3A_61 = arith.addi %mul3A_59, %add3A_60 : i32
    "tpu.region"() ({
      %run_scoped3A = tpu.sem_alloc : memref<!tpu.dma_semaphore, #tpu.memory_space<semaphore_mem>>
      %dma_start3A_133 = arith.constant 0 : i32
      %dma_start3A_134 = tpu.memref_slice %arg13[%add3A_61, %dma_start3A_133] : memref<10240x128xf32, #tpu.memory_space<vmem_shared>> -> memref<128x128xf32, #tpu.memory_space<vmem_shared>>
      %dma_start3A_135 = arith.constant 0 : i32
      %dma_start3A_136 = tpu.memref_slice %arg13[%add3A_61, %dma_start3A_135] : memref<10240x128xf32, #tpu.memory_space<vmem_shared>> -> memref<128x128xf32, #tpu.memory_space<vmem_shared>>
      tpu.enqueue_dma source(%arg11 : memref<128x128xf32, #tpu.memory_space<vmem>>) target(%dma_start3A_136 : memref<128x128xf32, #tpu.memory_space<vmem_shared>>) target_semaphore(%run_scoped3A : memref<!tpu.dma_semaphore, #tpu.memory_space<semaphore_mem>>)
      %dma_wait3A_137 = arith.constant 0 : i32
      %dma_wait3A_138 = tpu.memref_slice %arg13[%add3A_61, %dma_wait3A_137] : memref<10240x128xf32, #tpu.memory_space<vmem_shared>> -> memref<128x128xf32, #tpu.memory_space<vmem_shared>>
      %dma_wait3A_139 = arith.constant 0 : i32
      %dma_wait3A_140 = tpu.memref_slice %arg13[%add3A_61, %dma_wait3A_139] : memref<10240x128xf32, #tpu.memory_space<vmem_shared>> -> memref<128x128xf32, #tpu.memory_space<vmem_shared>>
      tpu.wait_dma2 semaphore(%run_scoped3A : memref<!tpu.dma_semaphore, #tpu.memory_space<semaphore_mem>>) src(%arg11 : memref<128x128xf32, #tpu.memory_space<vmem>>) dst(%dma_wait3A_140 : memref<128x128xf32, #tpu.memory_space<vmem_shared>>)
      tpu.yield
    }) : () -> ()
    %mul3A_62 = arith.constant 640 : i32
    %mul3A_63 = arith.muli %arg1, %mul3A_62 : i32
    %add3A_64 = arith.constant 256 : i32
    %add3A_65 = arith.addi %mul3A_63, %add3A_64 : i32
    "tpu.region"() ({
      %run_scoped3A = tpu.sem_alloc : memref<!tpu.dma_semaphore, #tpu.memory_space<semaphore_mem>>
      %dma_start3A_133 = arith.constant 0 : i32
      %dma_start3A_134 = tpu.memref_slice %arg13[%add3A_65, %dma_start3A_133] : memref<10240x128xf32, #tpu.memory_space<vmem_shared>> -> memref<128x128xf32, #tpu.memory_space<vmem_shared>>
      %dma_start3A_135 = arith.constant 0 : i32
      %dma_start3A_136 = tpu.memref_slice %arg13[%add3A_65, %dma_start3A_135] : memref<10240x128xf32, #tpu.memory_space<vmem_shared>> -> memref<128x128xf32, #tpu.memory_space<vmem_shared>>
      tpu.enqueue_dma source(%arg11 : memref<128x128xf32, #tpu.memory_space<vmem>>) target(%dma_start3A_136 : memref<128x128xf32, #tpu.memory_space<vmem_shared>>) target_semaphore(%run_scoped3A : memref<!tpu.dma_semaphore, #tpu.memory_space<semaphore_mem>>)
      %dma_wait3A_137 = arith.constant 0 : i32
      %dma_wait3A_138 = tpu.memref_slice %arg13[%add3A_65, %dma_wait3A_137] : memref<10240x128xf32, #tpu.memory_space<vmem_shared>> -> memref<128x128xf32, #tpu.memory_space<vmem_shared>>
      %dma_wait3A_139 = arith.constant 0 : i32
      %dma_wait3A_140 = tpu.memref_slice %arg13[%add3A_65, %dma_wait3A_139] : memref<10240x128xf32, #tpu.memory_space<vmem_shared>> -> memref<128x128xf32, #tpu.memory_space<vmem_shared>>
      tpu.wait_dma2 semaphore(%run_scoped3A : memref<!tpu.dma_semaphore, #tpu.memory_space<semaphore_mem>>) src(%arg11 : memref<128x128xf32, #tpu.memory_space<vmem>>) dst(%dma_wait3A_140 : memref<128x128xf32, #tpu.memory_space<vmem_shared>>)
      tpu.yield
    }) : () -> ()
    %mul3A_66 = arith.constant 640 : i32
    %mul3A_67 = arith.muli %arg1, %mul3A_66 : i32
    %add3A_68 = arith.constant 384 : i32
    %add3A_69 = arith.addi %mul3A_67, %add3A_68 : i32
    "tpu.region"() ({
      %run_scoped3A = tpu.sem_alloc : memref<!tpu.dma_semaphore, #tpu.memory_space<semaphore_mem>>
      %dma_start3A_133 = arith.constant 0 : i32
      %dma_start3A_134 = tpu.memref_slice %arg13[%add3A_69, %dma_start3A_133] : memref<10240x128xf32, #tpu.memory_space<vmem_shared>> -> memref<128x128xf32, #tpu.memory_space<vmem_shared>>
      %dma_start3A_135 = arith.constant 0 : i32
      %dma_start3A_136 = tpu.memref_slice %arg13[%add3A_69, %dma_start3A_135] : memref<10240x128xf32, #tpu.memory_space<vmem_shared>> -> memref<128x128xf32, #tpu.memory_space<vmem_shared>>
      tpu.enqueue_dma source(%arg11 : memref<128x128xf32, #tpu.memory_space<vmem>>) target(%dma_start3A_136 : memref<128x128xf32, #tpu.memory_space<vmem_shared>>) target_semaphore(%run_scoped3A : memref<!tpu.dma_semaphore, #tpu.memory_space<semaphore_mem>>)
      %dma_wait3A_137 = arith.constant 0 : i32
      %dma_wait3A_138 = tpu.memref_slice %arg13[%add3A_69, %dma_wait3A_137] : memref<10240x128xf32, #tpu.memory_space<vmem_shared>> -> memref<128x128xf32, #tpu.memory_space<vmem_shared>>
      %dma_wait3A_139 = arith.constant 0 : i32
      %dma_wait3A_140 = tpu.memref_slice %arg13[%add3A_69, %dma_wait3A_139] : memref<10240x128xf32, #tpu.memory_space<vmem_shared>> -> memref<128x128xf32, #tpu.memory_space<vmem_shared>>
      tpu.wait_dma2 semaphore(%run_scoped3A : memref<!tpu.dma_semaphore, #tpu.memory_space<semaphore_mem>>) src(%arg11 : memref<128x128xf32, #tpu.memory_space<vmem>>) dst(%dma_wait3A_140 : memref<128x128xf32, #tpu.memory_space<vmem_shared>>)
      tpu.yield
    }) : () -> ()
    %mul3A_70 = arith.constant 640 : i32
    %mul3A_71 = arith.muli %arg1, %mul3A_70 : i32
    %add3A_72 = arith.constant 512 : i32
    %add3A_73 = arith.addi %mul3A_71, %add3A_72 : i32
    "tpu.region"() ({
      %run_scoped3A = tpu.sem_alloc : memref<!tpu.dma_semaphore, #tpu.memory_space<semaphore_mem>>
      %dma_start3A_133 = arith.constant 0 : i32
      %dma_start3A_134 = tpu.memref_slice %arg13[%add3A_73, %dma_start3A_133] : memref<10240x128xf32, #tpu.memory_space<vmem_shared>> -> memref<128x128xf32, #tpu.memory_space<vmem_shared>>
      %dma_start3A_135 = arith.constant 0 : i32
      %dma_start3A_136 = tpu.memref_slice %arg13[%add3A_73, %dma_start3A_135] : memref<10240x128xf32, #tpu.memory_space<vmem_shared>> -> memref<128x128xf32, #tpu.memory_space<vmem_shared>>
      tpu.enqueue_dma source(%arg11 : memref<128x128xf32, #tpu.memory_space<vmem>>) target(%dma_start3A_136 : memref<128x128xf32, #tpu.memory_space<vmem_shared>>) target_semaphore(%run_scoped3A : memref<!tpu.dma_semaphore, #tpu.memory_space<semaphore_mem>>)
      %dma_wait3A_137 = arith.constant 0 : i32
      %dma_wait3A_138 = tpu.memref_slice %arg13[%add3A_73, %dma_wait3A_137] : memref<10240x128xf32, #tpu.memory_space<vmem_shared>> -> memref<128x128xf32, #tpu.memory_space<vmem_shared>>
      %dma_wait3A_139 = arith.constant 0 : i32
      %dma_wait3A_140 = tpu.memref_slice %arg13[%add3A_73, %dma_wait3A_139] : memref<10240x128xf32, #tpu.memory_space<vmem_shared>> -> memref<128x128xf32, #tpu.memory_space<vmem_shared>>
      tpu.wait_dma2 semaphore(%run_scoped3A : memref<!tpu.dma_semaphore, #tpu.memory_space<semaphore_mem>>) src(%arg11 : memref<128x128xf32, #tpu.memory_space<vmem>>) dst(%dma_wait3A_140 : memref<128x128xf32, #tpu.memory_space<vmem_shared>>)
      tpu.yield
    }) : () -> ()
    %barrier3A = arith.constant 0 : index
    tpu.barrier barrier_id(%barrier3A)
    %dma_wait3A = arith.constant 0 : i32
    %dma_wait3A_74 = arith.constant 0 : i32
    %dma_wait3A_75 = tpu.memref_slice %arg3[%arg1, %dma_wait3A, %dma_wait3A_74] : memref<16x240x128xi32, #tpu.memory_space<hbm>> -> memref<1x240x128xi32, #tpu.memory_space<hbm>>
    %dma_wait3A_76 = tpu.memref_squeeze %dma_wait3A_75 : memref<1x240x128xi32, #tpu.memory_space<hbm>> -> memref<240x128xi32, #tpu.memory_space<hbm>>
    %dma_wait3A_77 = arith.constant 0 : i32
    %dma_wait3A_78 = arith.constant 0 : i32
    %dma_wait3A_79 = tpu.memref_slice %dma_wait3A_76[%dma_wait3A_77, %dma_wait3A_78] : memref<240x128xi32, #tpu.memory_space<hbm>> -> memref<24x128xi32, #tpu.memory_space<hbm>>
    %dma_wait3A_80 = arith.constant 0 : i32
    %dma_wait3A_81 = arith.constant 0 : i32
    %dma_wait3A_82 = tpu.memref_slice %arg3[%arg1, %dma_wait3A_80, %dma_wait3A_81] : memref<16x240x128xi32, #tpu.memory_space<hbm>> -> memref<1x240x128xi32, #tpu.memory_space<hbm>>
    %dma_wait3A_83 = tpu.memref_squeeze %dma_wait3A_82 : memref<1x240x128xi32, #tpu.memory_space<hbm>> -> memref<240x128xi32, #tpu.memory_space<hbm>>
    %dma_wait3A_84 = arith.constant 0 : i32
    %dma_wait3A_85 = arith.constant 0 : i32
    %dma_wait3A_86 = tpu.memref_slice %dma_wait3A_83[%dma_wait3A_84, %dma_wait3A_85] : memref<240x128xi32, #tpu.memory_space<hbm>> -> memref<24x128xi32, #tpu.memory_space<hbm>>
    tpu.wait_dma2 semaphore(%arg18 : memref<!tpu.dma_semaphore, #tpu.memory_space<semaphore_mem>>) src(%dma_wait3A_86 : memref<24x128xi32, #tpu.memory_space<hbm>>) dst(%arg7 : memref<24x128xi32, #tpu.memory_space<vmem>>)
    %dma_wait3A_87 = arith.constant 0 : i32
    %dma_wait3A_88 = arith.constant 0 : i32
    %dma_wait3A_89 = tpu.memref_slice %arg3[%arg1, %dma_wait3A_87, %dma_wait3A_88] : memref<16x240x128xi32, #tpu.memory_space<hbm>> -> memref<1x240x128xi32, #tpu.memory_space<hbm>>
    %dma_wait3A_90 = tpu.memref_squeeze %dma_wait3A_89 : memref<1x240x128xi32, #tpu.memory_space<hbm>> -> memref<240x128xi32, #tpu.memory_space<hbm>>
    %dma_wait3A_91 = arith.constant 0 : i32
    %dma_wait3A_92 = arith.constant 0 : i32
    %dma_wait3A_93 = tpu.memref_slice %dma_wait3A_90[%dma_wait3A_91, %dma_wait3A_92] : memref<240x128xi32, #tpu.memory_space<hbm>> -> memref<24x128xi32, #tpu.memory_space<hbm>>
    %dma_wait3A_94 = arith.constant 0 : i32
    %dma_wait3A_95 = arith.constant 0 : i32
    %dma_wait3A_96 = tpu.memref_slice %arg3[%arg1, %dma_wait3A_94, %dma_wait3A_95] : memref<16x240x128xi32, #tpu.memory_space<hbm>> -> memref<1x240x128xi32, #tpu.memory_space<hbm>>
    %dma_wait3A_97 = tpu.memref_squeeze %dma_wait3A_96 : memref<1x240x128xi32, #tpu.memory_space<hbm>> -> memref<240x128xi32, #tpu.memory_space<hbm>>
    %dma_wait3A_98 = arith.constant 0 : i32
    %dma_wait3A_99 = arith.constant 0 : i32
    %dma_wait3A_100 = tpu.memref_slice %dma_wait3A_97[%dma_wait3A_98, %dma_wait3A_99] : memref<240x128xi32, #tpu.memory_space<hbm>> -> memref<24x128xi32, #tpu.memory_space<hbm>>
    tpu.wait_dma2 semaphore(%arg18 : memref<!tpu.dma_semaphore, #tpu.memory_space<semaphore_mem>>) src(%dma_wait3A_100 : memref<24x128xi32, #tpu.memory_space<hbm>>) dst(%arg8 : memref<24x128xi32, #tpu.memory_space<vmem>>)
    %dma_start3A_101 = arith.constant 0 : i32
    %dma_start3A_102 = arith.constant 0 : i32
    %dma_start3A_103 = tpu.memref_slice %arg7[%dma_start3A_101, %dma_start3A_102] : memref<24x128xi32, #tpu.memory_space<vmem>> -> memref<1x128xi32, #tpu.memory_space<vmem>>
    %dma_start3A_104 = tpu.memref_squeeze %dma_start3A_103 : memref<1x128xi32, #tpu.memory_space<vmem>> -> memref<128xi32, #tpu.memory_space<vmem>>
    %dma_start3A_105 = arith.constant 0 : i32
    %dma_start3A_106 = arith.constant 0 : i32
    %dma_start3A_107 = tpu.memref_slice %arg2[%sub3A_0, %dma_start3A_105, %dma_start3A_106] : memref<2x30000x128xf32, #tpu.memory_space<hbm>> -> memref<1x30000x128xf32, #tpu.memory_space<hbm>>
    %dma_start3A_108 = tpu.memref_squeeze %dma_start3A_107 : memref<1x30000x128xf32, #tpu.memory_space<hbm>> -> memref<30000x128xf32, #tpu.memory_space<hbm>>
    %dma_start3A_109 = arith.constant 0 : i32
    %dma_start3A_110 = arith.constant 0 : i32
    %dma_start3A_111 = tpu.memref_slice %dma_start3A_108[%dma_start3A_109, %dma_start3A_110] : memref<30000x128xf32, #tpu.memory_space<hbm>> -> memref<30000x128xf32, #tpu.memory_space<hbm>>
    tpu.enqueue_indirect_dma source(%dma_start3A_111 : memref<30000x128xf32, #tpu.memory_space<hbm>>) target(%arg11 : memref<128x128xf32, #tpu.memory_space<vmem>>) offsets(%dma_start3A_104 : memref<128xi32, #tpu.memory_space<vmem>>) semaphore(%arg14 : memref<!tpu.dma_semaphore, #tpu.memory_space<semaphore_mem>>)
    %dma_start3A_112 = arith.constant 1 : i32
    %dma_start3A_113 = arith.constant 0 : i32
    %dma_start3A_114 = tpu.memref_slice %arg7[%dma_start3A_112, %dma_start3A_113] : memref<24x128xi32, #tpu.memory_space<vmem>> -> memref<1x128xi32, #tpu.memory_space<vmem>>
    %dma_start3A_115 = tpu.memref_squeeze %dma_start3A_114 : memref<1x128xi32, #tpu.memory_space<vmem>> -> memref<128xi32, #tpu.memory_space<vmem>>
    %dma_start3A_116 = arith.constant 0 : i32
    %dma_start3A_117 = arith.constant 0 : i32
    %dma_start3A_118 = tpu.memref_slice %arg2[%sub3A_0, %dma_start3A_116, %dma_start3A_117] : memref<2x30000x128xf32, #tpu.memory_space<hbm>> -> memref<1x30000x128xf32, #tpu.memory_space<hbm>>
    %dma_start3A_119 = tpu.memref_squeeze %dma_start3A_118 : memref<1x30000x128xf32, #tpu.memory_space<hbm>> -> memref<30000x128xf32, #tpu.memory_space<hbm>>
    %dma_start3A_120 = arith.constant 0 : i32
    %dma_start3A_121 = arith.constant 0 : i32
    %dma_start3A_122 = tpu.memref_slice %dma_start3A_119[%dma_start3A_120, %dma_start3A_121] : memref<30000x128xf32, #tpu.memory_space<hbm>> -> memref<30000x128xf32, #tpu.memory_space<hbm>>
    tpu.enqueue_indirect_dma source(%dma_start3A_122 : memref<30000x128xf32, #tpu.memory_space<hbm>>) target(%arg12 : memref<128x128xf32, #tpu.memory_space<vmem>>) offsets(%dma_start3A_115 : memref<128xi32, #tpu.memory_space<vmem>>) semaphore(%arg15 : memref<!tpu.dma_semaphore, #tpu.memory_space<semaphore_mem>>)
    %scan3A = arith.constant 0 : i32
    %scan3A_123 = arith.constant 0 : i32
    %scan3A_124 = arith.constant 5 : i32
    %scan3A_125 = arith.addi %scan3A_123, %scan3A_124 : i32
    %scan3A_126 = arith.constant 1 : i32
    scf.for %scan3A_133 = %scan3A_123 to %scan3A_125 step %scan3A_126  : i32 {
      %ge3A = arith.constant 0 : i32
      %ge3A_134 = arith.cmpi sge, %scan3A_133, %ge3A : i32
      %scan3A_135 = arith.constant 0 : i32
      %scan3A_136 = arith.constant 0 : i32
      %scan3A_137 = arith.constant 12 : i32
      %scan3A_138 = arith.addi %scan3A_136, %scan3A_137 : i32
      %scan3A_139 = arith.constant 1 : i32
      scf.for %scan3A_156 = %scan3A_136 to %scan3A_138 step %scan3A_139  : i32 {
        %mul3A_157 = arith.constant 2 : i32
        %mul3A_158 = arith.muli %mul3A_157, %scan3A_156 : i32
        %add3A_159 = arith.constant 1 : i32
        %add3A_160 = arith.addi %mul3A_158, %add3A_159 : i32
        %dma_wait3A_161 = arith.constant 0 : i32
        %dma_wait3A_162 = arith.constant 0 : i32
        %dma_wait3A_163 = tpu.memref_slice %arg2[%sub3A_0, %dma_wait3A_161, %dma_wait3A_162] : memref<2x30000x128xf32, #tpu.memory_space<hbm>> -> memref<1x30000x128xf32, #tpu.memory_space<hbm>>
        %dma_wait3A_164 = tpu.memref_squeeze %dma_wait3A_163 : memref<1x30000x128xf32, #tpu.memory_space<hbm>> -> memref<30000x128xf32, #tpu.memory_space<hbm>>
        %dma_wait3A_165 = arith.constant 0 : i32
        %dma_wait3A_166 = arith.constant 0 : i32
        %dma_wait3A_167 = tpu.memref_slice %dma_wait3A_164[%dma_wait3A_165, %dma_wait3A_166] : memref<30000x128xf32, #tpu.memory_space<hbm>> -> memref<128x128xf32, #tpu.memory_space<hbm>>
        %dma_wait3A_168 = arith.constant 0 : i32
        %dma_wait3A_169 = arith.constant 0 : i32
        %dma_wait3A_170 = tpu.memref_slice %arg2[%sub3A_0, %dma_wait3A_168, %dma_wait3A_169] : memref<2x30000x128xf32, #tpu.memory_space<hbm>> -> memref<1x30000x128xf32, #tpu.memory_space<hbm>>
        %dma_wait3A_171 = tpu.memref_squeeze %dma_wait3A_170 : memref<1x30000x128xf32, #tpu.memory_space<hbm>> -> memref<30000x128xf32, #tpu.memory_space<hbm>>
        %dma_wait3A_172 = arith.constant 0 : i32
        %dma_wait3A_173 = arith.constant 0 : i32
        %dma_wait3A_174 = tpu.memref_slice %dma_wait3A_171[%dma_wait3A_172, %dma_wait3A_173] : memref<30000x128xf32, #tpu.memory_space<hbm>> -> memref<128x128xf32, #tpu.memory_space<hbm>>
        tpu.wait_dma2 semaphore(%arg14 : memref<!tpu.dma_semaphore, #tpu.memory_space<semaphore_mem>>) src(%dma_wait3A_174 : memref<128x128xf32, #tpu.memory_space<hbm>>) dst(%arg11 : memref<128x128xf32, #tpu.memory_space<vmem>>)
        %dma_start3A_175 = arith.constant 0 : i32
        %dma_start3A_176 = tpu.memref_slice %arg8[%mul3A_158, %dma_start3A_175] : memref<24x128xi32, #tpu.memory_space<vmem>> -> memref<1x128xi32, #tpu.memory_space<vmem>>
        %dma_start3A_177 = tpu.memref_squeeze %dma_start3A_176 : memref<1x128xi32, #tpu.memory_space<vmem>> -> memref<128xi32, #tpu.memory_space<vmem>>
        %dma_start3A_178 = arith.constant 0 : i32
        %dma_start3A_179 = arith.constant 0 : i32
        %dma_start3A_180 = tpu.memref_slice %arg13[%dma_start3A_178, %dma_start3A_179] : memref<10240x128xf32, #tpu.memory_space<vmem_shared>> -> memref<10240x128xf32, #tpu.memory_space<vmem_shared>>
        tpu.enqueue_indirect_dma source(%arg11 : memref<128x128xf32, #tpu.memory_space<vmem>>) target(%dma_start3A_180 : memref<10240x128xf32, #tpu.memory_space<vmem_shared>>) offsets(%dma_start3A_177 : memref<128xi32, #tpu.memory_space<vmem>>) semaphore(%arg16 : memref<!tpu.dma_semaphore, #tpu.memory_space<semaphore_mem>>) {add = true}
        %dma_wait3A_181 = arith.constant 0 : i32
        %dma_wait3A_182 = arith.constant 0 : i32
        %dma_wait3A_183 = tpu.memref_slice %arg2[%sub3A_0, %dma_wait3A_181, %dma_wait3A_182] : memref<2x30000x128xf32, #tpu.memory_space<hbm>> -> memref<1x30000x128xf32, #tpu.memory_space<hbm>>
        %dma_wait3A_184 = tpu.memref_squeeze %dma_wait3A_183 : memref<1x30000x128xf32, #tpu.memory_space<hbm>> -> memref<30000x128xf32, #tpu.memory_space<hbm>>
        %dma_wait3A_185 = arith.constant 0 : i32
        %dma_wait3A_186 = arith.constant 0 : i32
        %dma_wait3A_187 = tpu.memref_slice %dma_wait3A_184[%dma_wait3A_185, %dma_wait3A_186] : memref<30000x128xf32, #tpu.memory_space<hbm>> -> memref<128x128xf32, #tpu.memory_space<hbm>>
        %dma_wait3A_188 = arith.constant 0 : i32
        %dma_wait3A_189 = arith.constant 0 : i32
        %dma_wait3A_190 = tpu.memref_slice %arg2[%sub3A_0, %dma_wait3A_188, %dma_wait3A_189] : memref<2x30000x128xf32, #tpu.memory_space<hbm>> -> memref<1x30000x128xf32, #tpu.memory_space<hbm>>
        %dma_wait3A_191 = tpu.memref_squeeze %dma_wait3A_190 : memref<1x30000x128xf32, #tpu.memory_space<hbm>> -> memref<30000x128xf32, #tpu.memory_space<hbm>>
        %dma_wait3A_192 = arith.constant 0 : i32
        %dma_wait3A_193 = arith.constant 0 : i32
        %dma_wait3A_194 = tpu.memref_slice %dma_wait3A_191[%dma_wait3A_192, %dma_wait3A_193] : memref<30000x128xf32, #tpu.memory_space<hbm>> -> memref<128x128xf32, #tpu.memory_space<hbm>>
        tpu.wait_dma2 semaphore(%arg15 : memref<!tpu.dma_semaphore, #tpu.memory_space<semaphore_mem>>) src(%dma_wait3A_194 : memref<128x128xf32, #tpu.memory_space<hbm>>) dst(%arg12 : memref<128x128xf32, #tpu.memory_space<vmem>>)
        %dma_start3A_195 = arith.constant 0 : i32
        %dma_start3A_196 = tpu.memref_slice %arg8[%add3A_160, %dma_start3A_195] : memref<24x128xi32, #tpu.memory_space<vmem>> -> memref<1x128xi32, #tpu.memory_space<vmem>>
        %dma_start3A_197 = tpu.memref_squeeze %dma_start3A_196 : memref<1x128xi32, #tpu.memory_space<vmem>> -> memref<128xi32, #tpu.memory_space<vmem>>
        %dma_start3A_198 = arith.constant 0 : i32
        %dma_start3A_199 = arith.constant 0 : i32
        %dma_start3A_200 = tpu.memref_slice %arg13[%dma_start3A_198, %dma_start3A_199] : memref<10240x128xf32, #tpu.memory_space<vmem_shared>> -> memref<10240x128xf32, #tpu.memory_space<vmem_shared>>
        tpu.enqueue_indirect_dma source(%arg12 : memref<128x128xf32, #tpu.memory_space<vmem>>) target(%dma_start3A_200 : memref<10240x128xf32, #tpu.memory_space<vmem_shared>>) offsets(%dma_start3A_197 : memref<128xi32, #tpu.memory_space<vmem>>) semaphore(%arg17 : memref<!tpu.dma_semaphore, #tpu.memory_space<semaphore_mem>>) {add = true}
        %dma_wait3A_201 = arith.constant 0 : i32
        %dma_wait3A_202 = tpu.memref_slice %arg8[%mul3A_158, %dma_wait3A_201] : memref<24x128xi32, #tpu.memory_space<vmem>> -> memref<1x128xi32, #tpu.memory_space<vmem>>
        %dma_wait3A_203 = tpu.memref_squeeze %dma_wait3A_202 : memref<1x128xi32, #tpu.memory_space<vmem>> -> memref<128xi32, #tpu.memory_space<vmem>>
        %dma_wait3A_204 = arith.constant 0 : i32
        %dma_wait3A_205 = arith.constant 0 : i32
        %dma_wait3A_206 = tpu.memref_slice %arg13[%dma_wait3A_204, %dma_wait3A_205] : memref<10240x128xf32, #tpu.memory_space<vmem_shared>> -> memref<10240x128xf32, #tpu.memory_space<vmem_shared>>
        tpu.wait_indirect_dma semaphore(%arg16 : memref<!tpu.dma_semaphore, #tpu.memory_space<semaphore_mem>>) src(%arg11 : memref<128x128xf32, #tpu.memory_space<vmem>>) dst(%dma_wait3A_206 : memref<10240x128xf32, #tpu.memory_space<vmem_shared>>)
        %lt3A_207 = arith.constant 11 : i32
        %lt3A_208 = arith.cmpi slt, %scan3A_156, %lt3A_207 : i32
        %convert_element_type3A_209 = arith.extui %lt3A_208 : i1 to i32
        %cond3A_210 = arith.constant 0 : i32
        %cond3A_211 = arith.cmpi ne, %convert_element_type3A_209, %cond3A_210 : i32
        scf.if %cond3A_211 {
          %add3A_233 = arith.constant 2 : i32
          %add3A_234 = arith.addi %mul3A_158, %add3A_233 : i32
          %dma_start3A_235 = arith.constant 0 : i32
          %dma_start3A_236 = tpu.memref_slice %arg7[%add3A_234, %dma_start3A_235] : memref<24x128xi32, #tpu.memory_space<vmem>> -> memref<1x128xi32, #tpu.memory_space<vmem>>
          %dma_start3A_237 = tpu.memref_squeeze %dma_start3A_236 : memref<1x128xi32, #tpu.memory_space<vmem>> -> memref<128xi32, #tpu.memory_space<vmem>>
          %dma_start3A_238 = arith.constant 0 : i32
          %dma_start3A_239 = arith.constant 0 : i32
          %dma_start3A_240 = tpu.memref_slice %arg2[%sub3A_0, %dma_start3A_238, %dma_start3A_239] : memref<2x30000x128xf32, #tpu.memory_space<hbm>> -> memref<1x30000x128xf32, #tpu.memory_space<hbm>>
          %dma_start3A_241 = tpu.memref_squeeze %dma_start3A_240 : memref<1x30000x128xf32, #tpu.memory_space<hbm>> -> memref<30000x128xf32, #tpu.memory_space<hbm>>
          %dma_start3A_242 = arith.constant 0 : i32
          %dma_start3A_243 = arith.constant 0 : i32
          %dma_start3A_244 = tpu.memref_slice %dma_start3A_241[%dma_start3A_242, %dma_start3A_243] : memref<30000x128xf32, #tpu.memory_space<hbm>> -> memref<30000x128xf32, #tpu.memory_space<hbm>>
          tpu.enqueue_indirect_dma source(%dma_start3A_244 : memref<30000x128xf32, #tpu.memory_space<hbm>>) target(%arg11 : memref<128x128xf32, #tpu.memory_space<vmem>>) offsets(%dma_start3A_237 : memref<128xi32, #tpu.memory_space<vmem>>) semaphore(%arg14 : memref<!tpu.dma_semaphore, #tpu.memory_space<semaphore_mem>>)
        } else {
        }
        %eq3A = arith.constant 11 : i32
        %eq3A_212 = arith.cmpi eq, %scan3A_156, %eq3A : i32
        %and3A = arith.andi %eq3A_212, %ge3A_134 : i1
        %convert_element_type3A_213 = arith.extui %and3A : i1 to i32
        %cond3A_214 = arith.constant 0 : i32
        %cond3A_215 = arith.cmpi ne, %convert_element_type3A_213, %cond3A_214 : i32
        scf.if %cond3A_215 {
          %dma_wait3A_233 = arith.constant 0 : i32
          %dma_wait3A_234 = arith.constant 0 : i32
          %dma_wait3A_235 = tpu.memref_slice %arg3[%arg1, %dma_wait3A_233, %dma_wait3A_234] : memref<16x240x128xi32, #tpu.memory_space<hbm>> -> memref<1x240x128xi32, #tpu.memory_space<hbm>>
          %dma_wait3A_236 = tpu.memref_squeeze %dma_wait3A_235 : memref<1x240x128xi32, #tpu.memory_space<hbm>> -> memref<240x128xi32, #tpu.memory_space<hbm>>
          %dma_wait3A_237 = arith.constant 0 : i32
          %dma_wait3A_238 = arith.constant 0 : i32
          %dma_wait3A_239 = tpu.memref_slice %dma_wait3A_236[%dma_wait3A_237, %dma_wait3A_238] : memref<240x128xi32, #tpu.memory_space<hbm>> -> memref<24x128xi32, #tpu.memory_space<hbm>>
          %dma_wait3A_240 = arith.constant 0 : i32
          %dma_wait3A_241 = arith.constant 0 : i32
          %dma_wait3A_242 = tpu.memref_slice %arg3[%arg1, %dma_wait3A_240, %dma_wait3A_241] : memref<16x240x128xi32, #tpu.memory_space<hbm>> -> memref<1x240x128xi32, #tpu.memory_space<hbm>>
          %dma_wait3A_243 = tpu.memref_squeeze %dma_wait3A_242 : memref<1x240x128xi32, #tpu.memory_space<hbm>> -> memref<240x128xi32, #tpu.memory_space<hbm>>
          %dma_wait3A_244 = arith.constant 0 : i32
          %dma_wait3A_245 = arith.constant 0 : i32
          %dma_wait3A_246 = tpu.memref_slice %dma_wait3A_243[%dma_wait3A_244, %dma_wait3A_245] : memref<240x128xi32, #tpu.memory_space<hbm>> -> memref<24x128xi32, #tpu.memory_space<hbm>>
          tpu.wait_dma2 semaphore(%arg19 : memref<!tpu.dma_semaphore, #tpu.memory_space<semaphore_mem>>) src(%dma_wait3A_246 : memref<24x128xi32, #tpu.memory_space<hbm>>) dst(%arg9 : memref<24x128xi32, #tpu.memory_space<vmem>>)
          %dma_wait3A_247 = arith.constant 0 : i32
          %dma_wait3A_248 = arith.constant 0 : i32
          %dma_wait3A_249 = tpu.memref_slice %arg3[%arg1, %dma_wait3A_247, %dma_wait3A_248] : memref<16x240x128xi32, #tpu.memory_space<hbm>> -> memref<1x240x128xi32, #tpu.memory_space<hbm>>
          %dma_wait3A_250 = tpu.memref_squeeze %dma_wait3A_249 : memref<1x240x128xi32, #tpu.memory_space<hbm>> -> memref<240x128xi32, #tpu.memory_space<hbm>>
          %dma_wait3A_251 = arith.constant 0 : i32
          %dma_wait3A_252 = arith.constant 0 : i32
          %dma_wait3A_253 = tpu.memref_slice %dma_wait3A_250[%dma_wait3A_251, %dma_wait3A_252] : memref<240x128xi32, #tpu.memory_space<hbm>> -> memref<24x128xi32, #tpu.memory_space<hbm>>
          %dma_wait3A_254 = arith.constant 0 : i32
          %dma_wait3A_255 = arith.constant 0 : i32
          %dma_wait3A_256 = tpu.memref_slice %arg3[%arg1, %dma_wait3A_254, %dma_wait3A_255] : memref<16x240x128xi32, #tpu.memory_space<hbm>> -> memref<1x240x128xi32, #tpu.memory_space<hbm>>
          %dma_wait3A_257 = tpu.memref_squeeze %dma_wait3A_256 : memref<1x240x128xi32, #tpu.memory_space<hbm>> -> memref<240x128xi32, #tpu.memory_space<hbm>>
          %dma_wait3A_258 = arith.constant 0 : i32
          %dma_wait3A_259 = arith.constant 0 : i32
          %dma_wait3A_260 = tpu.memref_slice %dma_wait3A_257[%dma_wait3A_258, %dma_wait3A_259] : memref<240x128xi32, #tpu.memory_space<hbm>> -> memref<24x128xi32, #tpu.memory_space<hbm>>
          tpu.wait_dma2 semaphore(%arg19 : memref<!tpu.dma_semaphore, #tpu.memory_space<semaphore_mem>>) src(%dma_wait3A_260 : memref<24x128xi32, #tpu.memory_space<hbm>>) dst(%arg10 : memref<24x128xi32, #tpu.memory_space<vmem>>)
          %dma_start3A_261 = arith.constant 0 : i32
          %dma_start3A_262 = arith.constant 0 : i32
          %dma_start3A_263 = tpu.memref_slice %arg9[%dma_start3A_261, %dma_start3A_262] : memref<24x128xi32, #tpu.memory_space<vmem>> -> memref<1x128xi32, #tpu.memory_space<vmem>>
          %dma_start3A_264 = tpu.memref_squeeze %dma_start3A_263 : memref<1x128xi32, #tpu.memory_space<vmem>> -> memref<128xi32, #tpu.memory_space<vmem>>
          %dma_start3A_265 = arith.constant 0 : i32
          %dma_start3A_266 = arith.constant 0 : i32
          %dma_start3A_267 = tpu.memref_slice %arg2[%sub3A_0, %dma_start3A_265, %dma_start3A_266] : memref<2x30000x128xf32, #tpu.memory_space<hbm>> -> memref<1x30000x128xf32, #tpu.memory_space<hbm>>
          %dma_start3A_268 = tpu.memref_squeeze %dma_start3A_267 : memref<1x30000x128xf32, #tpu.memory_space<hbm>> -> memref<30000x128xf32, #tpu.memory_space<hbm>>
          %dma_start3A_269 = arith.constant 0 : i32
          %dma_start3A_270 = arith.constant 0 : i32
          %dma_start3A_271 = tpu.memref_slice %dma_start3A_268[%dma_start3A_269, %dma_start3A_270] : memref<30000x128xf32, #tpu.memory_space<hbm>> -> memref<30000x128xf32, #tpu.memory_space<hbm>>
          tpu.enqueue_indirect_dma source(%dma_start3A_271 : memref<30000x128xf32, #tpu.memory_space<hbm>>) target(%arg11 : memref<128x128xf32, #tpu.memory_space<vmem>>) offsets(%dma_start3A_264 : memref<128xi32, #tpu.memory_space<vmem>>) semaphore(%arg14 : memref<!tpu.dma_semaphore, #tpu.memory_space<semaphore_mem>>)
        } else {
        }
        %dma_wait3A_216 = arith.constant 0 : i32
        %dma_wait3A_217 = tpu.memref_slice %arg8[%add3A_160, %dma_wait3A_216] : memref<24x128xi32, #tpu.memory_space<vmem>> -> memref<1x128xi32, #tpu.memory_space<vmem>>
        %dma_wait3A_218 = tpu.memref_squeeze %dma_wait3A_217 : memref<1x128xi32, #tpu.memory_space<vmem>> -> memref<128xi32, #tpu.memory_space<vmem>>
        %dma_wait3A_219 = arith.constant 0 : i32
        %dma_wait3A_220 = arith.constant 0 : i32
        %dma_wait3A_221 = tpu.memref_slice %arg13[%dma_wait3A_219, %dma_wait3A_220] : memref<10240x128xf32, #tpu.memory_space<vmem_shared>> -> memref<10240x128xf32, #tpu.memory_space<vmem_shared>>
        tpu.wait_indirect_dma semaphore(%arg17 : memref<!tpu.dma_semaphore, #tpu.memory_space<semaphore_mem>>) src(%arg12 : memref<128x128xf32, #tpu.memory_space<vmem>>) dst(%dma_wait3A_221 : memref<10240x128xf32, #tpu.memory_space<vmem_shared>>)
        %lt3A_222 = arith.constant 11 : i32
        %lt3A_223 = arith.cmpi slt, %scan3A_156, %lt3A_222 : i32
        %convert_element_type3A_224 = arith.extui %lt3A_223 : i1 to i32
        %cond3A_225 = arith.constant 0 : i32
        %cond3A_226 = arith.cmpi ne, %convert_element_type3A_224, %cond3A_225 : i32
        scf.if %cond3A_226 {
          %add3A_233 = arith.constant 2 : i32
          %add3A_234 = arith.addi %add3A_160, %add3A_233 : i32
          %dma_start3A_235 = arith.constant 0 : i32
          %dma_start3A_236 = tpu.memref_slice %arg7[%add3A_234, %dma_start3A_235] : memref<24x128xi32, #tpu.memory_space<vmem>> -> memref<1x128xi32, #tpu.memory_space<vmem>>
          %dma_start3A_237 = tpu.memref_squeeze %dma_start3A_236 : memref<1x128xi32, #tpu.memory_space<vmem>> -> memref<128xi32, #tpu.memory_space<vmem>>
          %dma_start3A_238 = arith.constant 0 : i32
          %dma_start3A_239 = arith.constant 0 : i32
          %dma_start3A_240 = tpu.memref_slice %arg2[%sub3A_0, %dma_start3A_238, %dma_start3A_239] : memref<2x30000x128xf32, #tpu.memory_space<hbm>> -> memref<1x30000x128xf32, #tpu.memory_space<hbm>>
          %dma_start3A_241 = tpu.memref_squeeze %dma_start3A_240 : memref<1x30000x128xf32, #tpu.memory_space<hbm>> -> memref<30000x128xf32, #tpu.memory_space<hbm>>
          %dma_start3A_242 = arith.constant 0 : i32
          %dma_start3A_243 = arith.constant 0 : i32
          %dma_start3A_244 = tpu.memref_slice %dma_start3A_241[%dma_start3A_242, %dma_start3A_243] : memref<30000x128xf32, #tpu.memory_space<hbm>> -> memref<30000x128xf32, #tpu.memory_space<hbm>>
          tpu.enqueue_indirect_dma source(%dma_start3A_244 : memref<30000x128xf32, #tpu.memory_space<hbm>>) target(%arg12 : memref<128x128xf32, #tpu.memory_space<vmem>>) offsets(%dma_start3A_237 : memref<128xi32, #tpu.memory_space<vmem>>) semaphore(%arg15 : memref<!tpu.dma_semaphore, #tpu.memory_space<semaphore_mem>>)
        } else {
        }
        %eq3A_227 = arith.constant 11 : i32
        %eq3A_228 = arith.cmpi eq, %scan3A_156, %eq3A_227 : i32
        %and3A_229 = arith.andi %eq3A_228, %ge3A_134 : i1
        %convert_element_type3A_230 = arith.extui %and3A_229 : i1 to i32
        %cond3A_231 = arith.constant 0 : i32
        %cond3A_232 = arith.cmpi ne, %convert_element_type3A_230, %cond3A_231 : i32
        scf.if %cond3A_232 {
          %dma_start3A_233 = arith.constant 1 : i32
          %dma_start3A_234 = arith.constant 0 : i32
          %dma_start3A_235 = tpu.memref_slice %arg9[%dma_start3A_233, %dma_start3A_234] : memref<24x128xi32, #tpu.memory_space<vmem>> -> memref<1x128xi32, #tpu.memory_space<vmem>>
          %dma_start3A_236 = tpu.memref_squeeze %dma_start3A_235 : memref<1x128xi32, #tpu.memory_space<vmem>> -> memref<128xi32, #tpu.memory_space<vmem>>
          %dma_start3A_237 = arith.constant 0 : i32
          %dma_start3A_238 = arith.constant 0 : i32
          %dma_start3A_239 = tpu.memref_slice %arg2[%sub3A_0, %dma_start3A_237, %dma_start3A_238] : memref<2x30000x128xf32, #tpu.memory_space<hbm>> -> memref<1x30000x128xf32, #tpu.memory_space<hbm>>
          %dma_start3A_240 = tpu.memref_squeeze %dma_start3A_239 : memref<1x30000x128xf32, #tpu.memory_space<hbm>> -> memref<30000x128xf32, #tpu.memory_space<hbm>>
          %dma_start3A_241 = arith.constant 0 : i32
          %dma_start3A_242 = arith.constant 0 : i32
          %dma_start3A_243 = tpu.memref_slice %dma_start3A_240[%dma_start3A_241, %dma_start3A_242] : memref<30000x128xf32, #tpu.memory_space<hbm>> -> memref<30000x128xf32, #tpu.memory_space<hbm>>
          tpu.enqueue_indirect_dma source(%dma_start3A_243 : memref<30000x128xf32, #tpu.memory_space<hbm>>) target(%arg12 : memref<128x128xf32, #tpu.memory_space<vmem>>) offsets(%dma_start3A_236 : memref<128xi32, #tpu.memory_space<vmem>>) semaphore(%arg15 : memref<!tpu.dma_semaphore, #tpu.memory_space<semaphore_mem>>)
        } else {
        }
      }
      %scan3A_140 = arith.constant 12 : i32
      %lt3A = arith.constant 4 : i32
      %lt3A_141 = arith.cmpi slt, %scan3A_133, %lt3A : i32
      %convert_element_type3A = arith.extui %lt3A_141 : i1 to i32
      %cond3A = arith.constant 0 : i32
      %cond3A_142 = arith.cmpi ne, %convert_element_type3A, %cond3A : i32
      scf.if %cond3A_142 {
        %mul3A_156 = arith.constant 2 : i32
        %mul3A_157 = arith.muli %mul3A_156, %scan3A_133 : i32
        %add3A_158 = arith.constant 2 : i32
        %add3A_159 = arith.addi %mul3A_157, %add3A_158 : i32
        %mul3A_160 = arith.constant 24 : i32
        %mul3A_161 = arith.muli %add3A_159, %mul3A_160 : i32
        %dma_start3A_162 = arith.constant 0 : i32
        %dma_start3A_163 = arith.constant 0 : i32
        %dma_start3A_164 = tpu.memref_slice %arg3[%arg1, %dma_start3A_162, %dma_start3A_163] : memref<16x240x128xi32, #tpu.memory_space<hbm>> -> memref<1x240x128xi32, #tpu.memory_space<hbm>>
        %dma_start3A_165 = tpu.memref_squeeze %dma_start3A_164 : memref<1x240x128xi32, #tpu.memory_space<hbm>> -> memref<240x128xi32, #tpu.memory_space<hbm>>
        %dma_start3A_166 = arith.constant 0 : i32
        %dma_start3A_167 = tpu.memref_slice %dma_start3A_165[%mul3A_161, %dma_start3A_166] : memref<240x128xi32, #tpu.memory_space<hbm>> -> memref<24x128xi32, #tpu.memory_space<hbm>>
        %dma_start3A_168 = arith.constant 0 : i32
        %dma_start3A_169 = arith.constant 0 : i32
        %dma_start3A_170 = tpu.memref_slice %arg3[%arg1, %dma_start3A_168, %dma_start3A_169] : memref<16x240x128xi32, #tpu.memory_space<hbm>> -> memref<1x240x128xi32, #tpu.memory_space<hbm>>
        %dma_start3A_171 = tpu.memref_squeeze %dma_start3A_170 : memref<1x240x128xi32, #tpu.memory_space<hbm>> -> memref<240x128xi32, #tpu.memory_space<hbm>>
        %dma_start3A_172 = arith.constant 0 : i32
        %dma_start3A_173 = tpu.memref_slice %dma_start3A_171[%mul3A_161, %dma_start3A_172] : memref<240x128xi32, #tpu.memory_space<hbm>> -> memref<24x128xi32, #tpu.memory_space<hbm>>
        tpu.enqueue_dma source(%dma_start3A_173 : memref<24x128xi32, #tpu.memory_space<hbm>>) target(%arg7 : memref<24x128xi32, #tpu.memory_space<vmem>>) target_semaphore(%arg18 : memref<!tpu.dma_semaphore, #tpu.memory_space<semaphore_mem>>)
        %mul3A_174 = arith.constant 24 : i32
        %mul3A_175 = arith.muli %add3A_159, %mul3A_174 : i32
        %dma_start3A_176 = arith.constant 0 : i32
        %dma_start3A_177 = arith.constant 0 : i32
        %dma_start3A_178 = tpu.memref_slice %arg4[%arg1, %dma_start3A_176, %dma_start3A_177] : memref<16x240x128xi32, #tpu.memory_space<hbm>> -> memref<1x240x128xi32, #tpu.memory_space<hbm>>
        %dma_start3A_179 = tpu.memref_squeeze %dma_start3A_178 : memref<1x240x128xi32, #tpu.memory_space<hbm>> -> memref<240x128xi32, #tpu.memory_space<hbm>>
        %dma_start3A_180 = arith.constant 0 : i32
        %dma_start3A_181 = tpu.memref_slice %dma_start3A_179[%mul3A_175, %dma_start3A_180] : memref<240x128xi32, #tpu.memory_space<hbm>> -> memref<24x128xi32, #tpu.memory_space<hbm>>
        %dma_start3A_182 = arith.constant 0 : i32
        %dma_start3A_183 = arith.constant 0 : i32
        %dma_start3A_184 = tpu.memref_slice %arg4[%arg1, %dma_start3A_182, %dma_start3A_183] : memref<16x240x128xi32, #tpu.memory_space<hbm>> -> memref<1x240x128xi32, #tpu.memory_space<hbm>>
        %dma_start3A_185 = tpu.memref_squeeze %dma_start3A_184 : memref<1x240x128xi32, #tpu.memory_space<hbm>> -> memref<240x128xi32, #tpu.memory_space<hbm>>
        %dma_start3A_186 = arith.constant 0 : i32
        %dma_start3A_187 = tpu.memref_slice %dma_start3A_185[%mul3A_175, %dma_start3A_186] : memref<240x128xi32, #tpu.memory_space<hbm>> -> memref<24x128xi32, #tpu.memory_space<hbm>>
        tpu.enqueue_dma source(%dma_start3A_187 : memref<24x128xi32, #tpu.memory_space<hbm>>) target(%arg8 : memref<24x128xi32, #tpu.memory_space<vmem>>) target_semaphore(%arg18 : memref<!tpu.dma_semaphore, #tpu.memory_space<semaphore_mem>>)
      } else {
      }
      %lt3A_143 = arith.constant 4 : i32
      %lt3A_144 = arith.cmpi slt, %scan3A_133, %lt3A_143 : i32
      %scan3A_145 = arith.constant 0 : i32
      %scan3A_146 = arith.constant 0 : i32
      %scan3A_147 = arith.constant 12 : i32
      %scan3A_148 = arith.addi %scan3A_146, %scan3A_147 : i32
      %scan3A_149 = arith.constant 1 : i32
      scf.for %scan3A_156 = %scan3A_146 to %scan3A_148 step %scan3A_149  : i32 {
        %mul3A_157 = arith.constant 2 : i32
        %mul3A_158 = arith.muli %mul3A_157, %scan3A_156 : i32
        %add3A_159 = arith.constant 1 : i32
        %add3A_160 = arith.addi %mul3A_158, %add3A_159 : i32
        %dma_wait3A_161 = arith.constant 0 : i32
        %dma_wait3A_162 = arith.constant 0 : i32
        %dma_wait3A_163 = tpu.memref_slice %arg2[%sub3A_0, %dma_wait3A_161, %dma_wait3A_162] : memref<2x30000x128xf32, #tpu.memory_space<hbm>> -> memref<1x30000x128xf32, #tpu.memory_space<hbm>>
        %dma_wait3A_164 = tpu.memref_squeeze %dma_wait3A_163 : memref<1x30000x128xf32, #tpu.memory_space<hbm>> -> memref<30000x128xf32, #tpu.memory_space<hbm>>
        %dma_wait3A_165 = arith.constant 0 : i32
        %dma_wait3A_166 = arith.constant 0 : i32
        %dma_wait3A_167 = tpu.memref_slice %dma_wait3A_164[%dma_wait3A_165, %dma_wait3A_166] : memref<30000x128xf32, #tpu.memory_space<hbm>> -> memref<128x128xf32, #tpu.memory_space<hbm>>
        %dma_wait3A_168 = arith.constant 0 : i32
        %dma_wait3A_169 = arith.constant 0 : i32
        %dma_wait3A_170 = tpu.memref_slice %arg2[%sub3A_0, %dma_wait3A_168, %dma_wait3A_169] : memref<2x30000x128xf32, #tpu.memory_space<hbm>> -> memref<1x30000x128xf32, #tpu.memory_space<hbm>>
        %dma_wait3A_171 = tpu.memref_squeeze %dma_wait3A_170 : memref<1x30000x128xf32, #tpu.memory_space<hbm>> -> memref<30000x128xf32, #tpu.memory_space<hbm>>
        %dma_wait3A_172 = arith.constant 0 : i32
        %dma_wait3A_173 = arith.constant 0 : i32
        %dma_wait3A_174 = tpu.memref_slice %dma_wait3A_171[%dma_wait3A_172, %dma_wait3A_173] : memref<30000x128xf32, #tpu.memory_space<hbm>> -> memref<128x128xf32, #tpu.memory_space<hbm>>
        tpu.wait_dma2 semaphore(%arg14 : memref<!tpu.dma_semaphore, #tpu.memory_space<semaphore_mem>>) src(%dma_wait3A_174 : memref<128x128xf32, #tpu.memory_space<hbm>>) dst(%arg11 : memref<128x128xf32, #tpu.memory_space<vmem>>)
        %dma_start3A_175 = arith.constant 0 : i32
        %dma_start3A_176 = tpu.memref_slice %arg10[%mul3A_158, %dma_start3A_175] : memref<24x128xi32, #tpu.memory_space<vmem>> -> memref<1x128xi32, #tpu.memory_space<vmem>>
        %dma_start3A_177 = tpu.memref_squeeze %dma_start3A_176 : memref<1x128xi32, #tpu.memory_space<vmem>> -> memref<128xi32, #tpu.memory_space<vmem>>
        %dma_start3A_178 = arith.constant 0 : i32
        %dma_start3A_179 = arith.constant 0 : i32
        %dma_start3A_180 = tpu.memref_slice %arg13[%dma_start3A_178, %dma_start3A_179] : memref<10240x128xf32, #tpu.memory_space<vmem_shared>> -> memref<10240x128xf32, #tpu.memory_space<vmem_shared>>
        tpu.enqueue_indirect_dma source(%arg11 : memref<128x128xf32, #tpu.memory_space<vmem>>) target(%dma_start3A_180 : memref<10240x128xf32, #tpu.memory_space<vmem_shared>>) offsets(%dma_start3A_177 : memref<128xi32, #tpu.memory_space<vmem>>) semaphore(%arg16 : memref<!tpu.dma_semaphore, #tpu.memory_space<semaphore_mem>>) {add = true}
        %dma_wait3A_181 = arith.constant 0 : i32
        %dma_wait3A_182 = arith.constant 0 : i32
        %dma_wait3A_183 = tpu.memref_slice %arg2[%sub3A_0, %dma_wait3A_181, %dma_wait3A_182] : memref<2x30000x128xf32, #tpu.memory_space<hbm>> -> memref<1x30000x128xf32, #tpu.memory_space<hbm>>
        %dma_wait3A_184 = tpu.memref_squeeze %dma_wait3A_183 : memref<1x30000x128xf32, #tpu.memory_space<hbm>> -> memref<30000x128xf32, #tpu.memory_space<hbm>>
        %dma_wait3A_185 = arith.constant 0 : i32
        %dma_wait3A_186 = arith.constant 0 : i32
        %dma_wait3A_187 = tpu.memref_slice %dma_wait3A_184[%dma_wait3A_185, %dma_wait3A_186] : memref<30000x128xf32, #tpu.memory_space<hbm>> -> memref<128x128xf32, #tpu.memory_space<hbm>>
        %dma_wait3A_188 = arith.constant 0 : i32
        %dma_wait3A_189 = arith.constant 0 : i32
        %dma_wait3A_190 = tpu.memref_slice %arg2[%sub3A_0, %dma_wait3A_188, %dma_wait3A_189] : memref<2x30000x128xf32, #tpu.memory_space<hbm>> -> memref<1x30000x128xf32, #tpu.memory_space<hbm>>
        %dma_wait3A_191 = tpu.memref_squeeze %dma_wait3A_190 : memref<1x30000x128xf32, #tpu.memory_space<hbm>> -> memref<30000x128xf32, #tpu.memory_space<hbm>>
        %dma_wait3A_192 = arith.constant 0 : i32
        %dma_wait3A_193 = arith.constant 0 : i32
        %dma_wait3A_194 = tpu.memref_slice %dma_wait3A_191[%dma_wait3A_192, %dma_wait3A_193] : memref<30000x128xf32, #tpu.memory_space<hbm>> -> memref<128x128xf32, #tpu.memory_space<hbm>>
        tpu.wait_dma2 semaphore(%arg15 : memref<!tpu.dma_semaphore, #tpu.memory_space<semaphore_mem>>) src(%dma_wait3A_194 : memref<128x128xf32, #tpu.memory_space<hbm>>) dst(%arg12 : memref<128x128xf32, #tpu.memory_space<vmem>>)
        %dma_start3A_195 = arith.constant 0 : i32
        %dma_start3A_196 = tpu.memref_slice %arg10[%add3A_160, %dma_start3A_195] : memref<24x128xi32, #tpu.memory_space<vmem>> -> memref<1x128xi32, #tpu.memory_space<vmem>>
        %dma_start3A_197 = tpu.memref_squeeze %dma_start3A_196 : memref<1x128xi32, #tpu.memory_space<vmem>> -> memref<128xi32, #tpu.memory_space<vmem>>
        %dma_start3A_198 = arith.constant 0 : i32
        %dma_start3A_199 = arith.constant 0 : i32
        %dma_start3A_200 = tpu.memref_slice %arg13[%dma_start3A_198, %dma_start3A_199] : memref<10240x128xf32, #tpu.memory_space<vmem_shared>> -> memref<10240x128xf32, #tpu.memory_space<vmem_shared>>
        tpu.enqueue_indirect_dma source(%arg12 : memref<128x128xf32, #tpu.memory_space<vmem>>) target(%dma_start3A_200 : memref<10240x128xf32, #tpu.memory_space<vmem_shared>>) offsets(%dma_start3A_197 : memref<128xi32, #tpu.memory_space<vmem>>) semaphore(%arg17 : memref<!tpu.dma_semaphore, #tpu.memory_space<semaphore_mem>>) {add = true}
        %dma_wait3A_201 = arith.constant 0 : i32
        %dma_wait3A_202 = tpu.memref_slice %arg10[%mul3A_158, %dma_wait3A_201] : memref<24x128xi32, #tpu.memory_space<vmem>> -> memref<1x128xi32, #tpu.memory_space<vmem>>
        %dma_wait3A_203 = tpu.memref_squeeze %dma_wait3A_202 : memref<1x128xi32, #tpu.memory_space<vmem>> -> memref<128xi32, #tpu.memory_space<vmem>>
        %dma_wait3A_204 = arith.constant 0 : i32
        %dma_wait3A_205 = arith.constant 0 : i32
        %dma_wait3A_206 = tpu.memref_slice %arg13[%dma_wait3A_204, %dma_wait3A_205] : memref<10240x128xf32, #tpu.memory_space<vmem_shared>> -> memref<10240x128xf32, #tpu.memory_space<vmem_shared>>
        tpu.wait_indirect_dma semaphore(%arg16 : memref<!tpu.dma_semaphore, #tpu.memory_space<semaphore_mem>>) src(%arg11 : memref<128x128xf32, #tpu.memory_space<vmem>>) dst(%dma_wait3A_206 : memref<10240x128xf32, #tpu.memory_space<vmem_shared>>)
        %lt3A_207 = arith.constant 11 : i32
        %lt3A_208 = arith.cmpi slt, %scan3A_156, %lt3A_207 : i32
        %convert_element_type3A_209 = arith.extui %lt3A_208 : i1 to i32
        %cond3A_210 = arith.constant 0 : i32
        %cond3A_211 = arith.cmpi ne, %convert_element_type3A_209, %cond3A_210 : i32
        scf.if %cond3A_211 {
          %add3A_233 = arith.constant 2 : i32
          %add3A_234 = arith.addi %mul3A_158, %add3A_233 : i32
          %dma_start3A_235 = arith.constant 0 : i32
          %dma_start3A_236 = tpu.memref_slice %arg9[%add3A_234, %dma_start3A_235] : memref<24x128xi32, #tpu.memory_space<vmem>> -> memref<1x128xi32, #tpu.memory_space<vmem>>
          %dma_start3A_237 = tpu.memref_squeeze %dma_start3A_236 : memref<1x128xi32, #tpu.memory_space<vmem>> -> memref<128xi32, #tpu.memory_space<vmem>>
          %dma_start3A_238 = arith.constant 0 : i32
          %dma_start3A_239 = arith.constant 0 : i32
          %dma_start3A_240 = tpu.memref_slice %arg2[%sub3A_0, %dma_start3A_238, %dma_start3A_239] : memref<2x30000x128xf32, #tpu.memory_space<hbm>> -> memref<1x30000x128xf32, #tpu.memory_space<hbm>>
          %dma_start3A_241 = tpu.memref_squeeze %dma_start3A_240 : memref<1x30000x128xf32, #tpu.memory_space<hbm>> -> memref<30000x128xf32, #tpu.memory_space<hbm>>
          %dma_start3A_242 = arith.constant 0 : i32
          %dma_start3A_243 = arith.constant 0 : i32
          %dma_start3A_244 = tpu.memref_slice %dma_start3A_241[%dma_start3A_242, %dma_start3A_243] : memref<30000x128xf32, #tpu.memory_space<hbm>> -> memref<30000x128xf32, #tpu.memory_space<hbm>>
          tpu.enqueue_indirect_dma source(%dma_start3A_244 : memref<30000x128xf32, #tpu.memory_space<hbm>>) target(%arg11 : memref<128x128xf32, #tpu.memory_space<vmem>>) offsets(%dma_start3A_237 : memref<128xi32, #tpu.memory_space<vmem>>) semaphore(%arg14 : memref<!tpu.dma_semaphore, #tpu.memory_space<semaphore_mem>>)
        } else {
        }
        %eq3A = arith.constant 11 : i32
        %eq3A_212 = arith.cmpi eq, %scan3A_156, %eq3A : i32
        %and3A = arith.andi %eq3A_212, %lt3A_144 : i1
        %convert_element_type3A_213 = arith.extui %and3A : i1 to i32
        %cond3A_214 = arith.constant 0 : i32
        %cond3A_215 = arith.cmpi ne, %convert_element_type3A_213, %cond3A_214 : i32
        scf.if %cond3A_215 {
          %dma_wait3A_233 = arith.constant 0 : i32
          %dma_wait3A_234 = arith.constant 0 : i32
          %dma_wait3A_235 = tpu.memref_slice %arg3[%arg1, %dma_wait3A_233, %dma_wait3A_234] : memref<16x240x128xi32, #tpu.memory_space<hbm>> -> memref<1x240x128xi32, #tpu.memory_space<hbm>>
          %dma_wait3A_236 = tpu.memref_squeeze %dma_wait3A_235 : memref<1x240x128xi32, #tpu.memory_space<hbm>> -> memref<240x128xi32, #tpu.memory_space<hbm>>
          %dma_wait3A_237 = arith.constant 0 : i32
          %dma_wait3A_238 = arith.constant 0 : i32
          %dma_wait3A_239 = tpu.memref_slice %dma_wait3A_236[%dma_wait3A_237, %dma_wait3A_238] : memref<240x128xi32, #tpu.memory_space<hbm>> -> memref<24x128xi32, #tpu.memory_space<hbm>>
          %dma_wait3A_240 = arith.constant 0 : i32
          %dma_wait3A_241 = arith.constant 0 : i32
          %dma_wait3A_242 = tpu.memref_slice %arg3[%arg1, %dma_wait3A_240, %dma_wait3A_241] : memref<16x240x128xi32, #tpu.memory_space<hbm>> -> memref<1x240x128xi32, #tpu.memory_space<hbm>>
          %dma_wait3A_243 = tpu.memref_squeeze %dma_wait3A_242 : memref<1x240x128xi32, #tpu.memory_space<hbm>> -> memref<240x128xi32, #tpu.memory_space<hbm>>
          %dma_wait3A_244 = arith.constant 0 : i32
          %dma_wait3A_245 = arith.constant 0 : i32
          %dma_wait3A_246 = tpu.memref_slice %dma_wait3A_243[%dma_wait3A_244, %dma_wait3A_245] : memref<240x128xi32, #tpu.memory_space<hbm>> -> memref<24x128xi32, #tpu.memory_space<hbm>>
          tpu.wait_dma2 semaphore(%arg18 : memref<!tpu.dma_semaphore, #tpu.memory_space<semaphore_mem>>) src(%dma_wait3A_246 : memref<24x128xi32, #tpu.memory_space<hbm>>) dst(%arg7 : memref<24x128xi32, #tpu.memory_space<vmem>>)
          %dma_wait3A_247 = arith.constant 0 : i32
          %dma_wait3A_248 = arith.constant 0 : i32
          %dma_wait3A_249 = tpu.memref_slice %arg3[%arg1, %dma_wait3A_247, %dma_wait3A_248] : memref<16x240x128xi32, #tpu.memory_space<hbm>> -> memref<1x240x128xi32, #tpu.memory_space<hbm>>
          %dma_wait3A_250 = tpu.memref_squeeze %dma_wait3A_249 : memref<1x240x128xi32, #tpu.memory_space<hbm>> -> memref<240x128xi32, #tpu.memory_space<hbm>>
          %dma_wait3A_251 = arith.constant 0 : i32
          %dma_wait3A_252 = arith.constant 0 : i32
          %dma_wait3A_253 = tpu.memref_slice %dma_wait3A_250[%dma_wait3A_251, %dma_wait3A_252] : memref<240x128xi32, #tpu.memory_space<hbm>> -> memref<24x128xi32, #tpu.memory_space<hbm>>
          %dma_wait3A_254 = arith.constant 0 : i32
          %dma_wait3A_255 = arith.constant 0 : i32
          %dma_wait3A_256 = tpu.memref_slice %arg3[%arg1, %dma_wait3A_254, %dma_wait3A_255] : memref<16x240x128xi32, #tpu.memory_space<hbm>> -> memref<1x240x128xi32, #tpu.memory_space<hbm>>
          %dma_wait3A_257 = tpu.memref_squeeze %dma_wait3A_256 : memref<1x240x128xi32, #tpu.memory_space<hbm>> -> memref<240x128xi32, #tpu.memory_space<hbm>>
          %dma_wait3A_258 = arith.constant 0 : i32
          %dma_wait3A_259 = arith.constant 0 : i32
          %dma_wait3A_260 = tpu.memref_slice %dma_wait3A_257[%dma_wait3A_258, %dma_wait3A_259] : memref<240x128xi32, #tpu.memory_space<hbm>> -> memref<24x128xi32, #tpu.memory_space<hbm>>
          tpu.wait_dma2 semaphore(%arg18 : memref<!tpu.dma_semaphore, #tpu.memory_space<semaphore_mem>>) src(%dma_wait3A_260 : memref<24x128xi32, #tpu.memory_space<hbm>>) dst(%arg8 : memref<24x128xi32, #tpu.memory_space<vmem>>)
          %dma_start3A_261 = arith.constant 0 : i32
          %dma_start3A_262 = arith.constant 0 : i32
          %dma_start3A_263 = tpu.memref_slice %arg7[%dma_start3A_261, %dma_start3A_262] : memref<24x128xi32, #tpu.memory_space<vmem>> -> memref<1x128xi32, #tpu.memory_space<vmem>>
          %dma_start3A_264 = tpu.memref_squeeze %dma_start3A_263 : memref<1x128xi32, #tpu.memory_space<vmem>> -> memref<128xi32, #tpu.memory_space<vmem>>
          %dma_start3A_265 = arith.constant 0 : i32
          %dma_start3A_266 = arith.constant 0 : i32
          %dma_start3A_267 = tpu.memref_slice %arg2[%sub3A_0, %dma_start3A_265, %dma_start3A_266] : memref<2x30000x128xf32, #tpu.memory_space<hbm>> -> memref<1x30000x128xf32, #tpu.memory_space<hbm>>
          %dma_start3A_268 = tpu.memref_squeeze %dma_start3A_267 : memref<1x30000x128xf32, #tpu.memory_space<hbm>> -> memref<30000x128xf32, #tpu.memory_space<hbm>>
          %dma_start3A_269 = arith.constant 0 : i32
          %dma_start3A_270 = arith.constant 0 : i32
          %dma_start3A_271 = tpu.memref_slice %dma_start3A_268[%dma_start3A_269, %dma_start3A_270] : memref<30000x128xf32, #tpu.memory_space<hbm>> -> memref<30000x128xf32, #tpu.memory_space<hbm>>
          tpu.enqueue_indirect_dma source(%dma_start3A_271 : memref<30000x128xf32, #tpu.memory_space<hbm>>) target(%arg11 : memref<128x128xf32, #tpu.memory_space<vmem>>) offsets(%dma_start3A_264 : memref<128xi32, #tpu.memory_space<vmem>>) semaphore(%arg14 : memref<!tpu.dma_semaphore, #tpu.memory_space<semaphore_mem>>)
        } else {
        }
        %dma_wait3A_216 = arith.constant 0 : i32
        %dma_wait3A_217 = tpu.memref_slice %arg10[%add3A_160, %dma_wait3A_216] : memref<24x128xi32, #tpu.memory_space<vmem>> -> memref<1x128xi32, #tpu.memory_space<vmem>>
        %dma_wait3A_218 = tpu.memref_squeeze %dma_wait3A_217 : memref<1x128xi32, #tpu.memory_space<vmem>> -> memref<128xi32, #tpu.memory_space<vmem>>
        %dma_wait3A_219 = arith.constant 0 : i32
        %dma_wait3A_220 = arith.constant 0 : i32
        %dma_wait3A_221 = tpu.memref_slice %arg13[%dma_wait3A_219, %dma_wait3A_220] : memref<10240x128xf32, #tpu.memory_space<vmem_shared>> -> memref<10240x128xf32, #tpu.memory_space<vmem_shared>>
        tpu.wait_indirect_dma semaphore(%arg17 : memref<!tpu.dma_semaphore, #tpu.memory_space<semaphore_mem>>) src(%arg12 : memref<128x128xf32, #tpu.memory_space<vmem>>) dst(%dma_wait3A_221 : memref<10240x128xf32, #tpu.memory_space<vmem_shared>>)
        %lt3A_222 = arith.constant 11 : i32
        %lt3A_223 = arith.cmpi slt, %scan3A_156, %lt3A_222 : i32
        %convert_element_type3A_224 = arith.extui %lt3A_223 : i1 to i32
        %cond3A_225 = arith.constant 0 : i32
        %cond3A_226 = arith.cmpi ne, %convert_element_type3A_224, %cond3A_225 : i32
        scf.if %cond3A_226 {
          %add3A_233 = arith.constant 2 : i32
          %add3A_234 = arith.addi %add3A_160, %add3A_233 : i32
          %dma_start3A_235 = arith.constant 0 : i32
          %dma_start3A_236 = tpu.memref_slice %arg9[%add3A_234, %dma_start3A_235] : memref<24x128xi32, #tpu.memory_space<vmem>> -> memref<1x128xi32, #tpu.memory_space<vmem>>
          %dma_start3A_237 = tpu.memref_squeeze %dma_start3A_236 : memref<1x128xi32, #tpu.memory_space<vmem>> -> memref<128xi32, #tpu.memory_space<vmem>>
          %dma_start3A_238 = arith.constant 0 : i32
          %dma_start3A_239 = arith.constant 0 : i32
          %dma_start3A_240 = tpu.memref_slice %arg2[%sub3A_0, %dma_start3A_238, %dma_start3A_239] : memref<2x30000x128xf32, #tpu.memory_space<hbm>> -> memref<1x30000x128xf32, #tpu.memory_space<hbm>>
          %dma_start3A_241 = tpu.memref_squeeze %dma_start3A_240 : memref<1x30000x128xf32, #tpu.memory_space<hbm>> -> memref<30000x128xf32, #tpu.memory_space<hbm>>
          %dma_start3A_242 = arith.constant 0 : i32
          %dma_start3A_243 = arith.constant 0 : i32
          %dma_start3A_244 = tpu.memref_slice %dma_start3A_241[%dma_start3A_242, %dma_start3A_243] : memref<30000x128xf32, #tpu.memory_space<hbm>> -> memref<30000x128xf32, #tpu.memory_space<hbm>>
          tpu.enqueue_indirect_dma source(%dma_start3A_244 : memref<30000x128xf32, #tpu.memory_space<hbm>>) target(%arg12 : memref<128x128xf32, #tpu.memory_space<vmem>>) offsets(%dma_start3A_237 : memref<128xi32, #tpu.memory_space<vmem>>) semaphore(%arg15 : memref<!tpu.dma_semaphore, #tpu.memory_space<semaphore_mem>>)
        } else {
        }
        %eq3A_227 = arith.constant 11 : i32
        %eq3A_228 = arith.cmpi eq, %scan3A_156, %eq3A_227 : i32
        %and3A_229 = arith.andi %eq3A_228, %lt3A_144 : i1
        %convert_element_type3A_230 = arith.extui %and3A_229 : i1 to i32
        %cond3A_231 = arith.constant 0 : i32
        %cond3A_232 = arith.cmpi ne, %convert_element_type3A_230, %cond3A_231 : i32
        scf.if %cond3A_232 {
          %dma_start3A_233 = arith.constant 1 : i32
          %dma_start3A_234 = arith.constant 0 : i32
          %dma_start3A_235 = tpu.memref_slice %arg7[%dma_start3A_233, %dma_start3A_234] : memref<24x128xi32, #tpu.memory_space<vmem>> -> memref<1x128xi32, #tpu.memory_space<vmem>>
          %dma_start3A_236 = tpu.memref_squeeze %dma_start3A_235 : memref<1x128xi32, #tpu.memory_space<vmem>> -> memref<128xi32, #tpu.memory_space<vmem>>
          %dma_start3A_237 = arith.constant 0 : i32
          %dma_start3A_238 = arith.constant 0 : i32
          %dma_start3A_239 = tpu.memref_slice %arg2[%sub3A_0, %dma_start3A_237, %dma_start3A_238] : memref<2x30000x128xf32, #tpu.memory_space<hbm>> -> memref<1x30000x128xf32, #tpu.memory_space<hbm>>
          %dma_start3A_240 = tpu.memref_squeeze %dma_start3A_239 : memref<1x30000x128xf32, #tpu.memory_space<hbm>> -> memref<30000x128xf32, #tpu.memory_space<hbm>>
          %dma_start3A_241 = arith.constant 0 : i32
          %dma_start3A_242 = arith.constant 0 : i32
          %dma_start3A_243 = tpu.memref_slice %dma_start3A_240[%dma_start3A_241, %dma_start3A_242] : memref<30000x128xf32, #tpu.memory_space<hbm>> -> memref<30000x128xf32, #tpu.memory_space<hbm>>
          tpu.enqueue_indirect_dma source(%dma_start3A_243 : memref<30000x128xf32, #tpu.memory_space<hbm>>) target(%arg12 : memref<128x128xf32, #tpu.memory_space<vmem>>) offsets(%dma_start3A_236 : memref<128xi32, #tpu.memory_space<vmem>>) semaphore(%arg15 : memref<!tpu.dma_semaphore, #tpu.memory_space<semaphore_mem>>)
        } else {
        }
      }
      %scan3A_150 = arith.constant 12 : i32
      %lt3A_151 = arith.constant 4 : i32
      %lt3A_152 = arith.cmpi slt, %scan3A_133, %lt3A_151 : i32
      %convert_element_type3A_153 = arith.extui %lt3A_152 : i1 to i32
      %cond3A_154 = arith.constant 0 : i32
      %cond3A_155 = arith.cmpi ne, %convert_element_type3A_153, %cond3A_154 : i32
      scf.if %cond3A_155 {
        %mul3A_156 = arith.constant 2 : i32
        %mul3A_157 = arith.muli %mul3A_156, %scan3A_133 : i32
        %add3A_158 = arith.constant 3 : i32
        %add3A_159 = arith.addi %mul3A_157, %add3A_158 : i32
        %mul3A_160 = arith.constant 24 : i32
        %mul3A_161 = arith.muli %add3A_159, %mul3A_160 : i32
        %dma_start3A_162 = arith.constant 0 : i32
        %dma_start3A_163 = arith.constant 0 : i32
        %dma_start3A_164 = tpu.memref_slice %arg3[%arg1, %dma_start3A_162, %dma_start3A_163] : memref<16x240x128xi32, #tpu.memory_space<hbm>> -> memref<1x240x128xi32, #tpu.memory_space<hbm>>
        %dma_start3A_165 = tpu.memref_squeeze %dma_start3A_164 : memref<1x240x128xi32, #tpu.memory_space<hbm>> -> memref<240x128xi32, #tpu.memory_space<hbm>>
        %dma_start3A_166 = arith.constant 0 : i32
        %dma_start3A_167 = tpu.memref_slice %dma_start3A_165[%mul3A_161, %dma_start3A_166] : memref<240x128xi32, #tpu.memory_space<hbm>> -> memref<24x128xi32, #tpu.memory_space<hbm>>
        %dma_start3A_168 = arith.constant 0 : i32
        %dma_start3A_169 = arith.constant 0 : i32
        %dma_start3A_170 = tpu.memref_slice %arg3[%arg1, %dma_start3A_168, %dma_start3A_169] : memref<16x240x128xi32, #tpu.memory_space<hbm>> -> memref<1x240x128xi32, #tpu.memory_space<hbm>>
        %dma_start3A_171 = tpu.memref_squeeze %dma_start3A_170 : memref<1x240x128xi32, #tpu.memory_space<hbm>> -> memref<240x128xi32, #tpu.memory_space<hbm>>
        %dma_start3A_172 = arith.constant 0 : i32
        %dma_start3A_173 = tpu.memref_slice %dma_start3A_171[%mul3A_161, %dma_start3A_172] : memref<240x128xi32, #tpu.memory_space<hbm>> -> memref<24x128xi32, #tpu.memory_space<hbm>>
        tpu.enqueue_dma source(%dma_start3A_173 : memref<24x128xi32, #tpu.memory_space<hbm>>) target(%arg9 : memref<24x128xi32, #tpu.memory_space<vmem>>) target_semaphore(%arg19 : memref<!tpu.dma_semaphore, #tpu.memory_space<semaphore_mem>>)
        %mul3A_174 = arith.constant 24 : i32
        %mul3A_175 = arith.muli %add3A_159, %mul3A_174 : i32
        %dma_start3A_176 = arith.constant 0 : i32
        %dma_start3A_177 = arith.constant 0 : i32
        %dma_start3A_178 = tpu.memref_slice %arg4[%arg1, %dma_start3A_176, %dma_start3A_177] : memref<16x240x128xi32, #tpu.memory_space<hbm>> -> memref<1x240x128xi32, #tpu.memory_space<hbm>>
        %dma_start3A_179 = tpu.memref_squeeze %dma_start3A_178 : memref<1x240x128xi32, #tpu.memory_space<hbm>> -> memref<240x128xi32, #tpu.memory_space<hbm>>
        %dma_start3A_180 = arith.constant 0 : i32
        %dma_start3A_181 = tpu.memref_slice %dma_start3A_179[%mul3A_175, %dma_start3A_180] : memref<240x128xi32, #tpu.memory_space<hbm>> -> memref<24x128xi32, #tpu.memory_space<hbm>>
        %dma_start3A_182 = arith.constant 0 : i32
        %dma_start3A_183 = arith.constant 0 : i32
        %dma_start3A_184 = tpu.memref_slice %arg4[%arg1, %dma_start3A_182, %dma_start3A_183] : memref<16x240x128xi32, #tpu.memory_space<hbm>> -> memref<1x240x128xi32, #tpu.memory_space<hbm>>
        %dma_start3A_185 = tpu.memref_squeeze %dma_start3A_184 : memref<1x240x128xi32, #tpu.memory_space<hbm>> -> memref<240x128xi32, #tpu.memory_space<hbm>>
        %dma_start3A_186 = arith.constant 0 : i32
        %dma_start3A_187 = tpu.memref_slice %dma_start3A_185[%mul3A_175, %dma_start3A_186] : memref<240x128xi32, #tpu.memory_space<hbm>> -> memref<24x128xi32, #tpu.memory_space<hbm>>
        tpu.enqueue_dma source(%dma_start3A_187 : memref<24x128xi32, #tpu.memory_space<hbm>>) target(%arg10 : memref<24x128xi32, #tpu.memory_space<vmem>>) target_semaphore(%arg19 : memref<!tpu.dma_semaphore, #tpu.memory_space<semaphore_mem>>)
      } else {
      }
    }
    %scan3A_127 = arith.constant 5 : i32
    %barrier3A_128 = arith.constant 0 : index
    tpu.barrier barrier_id(%barrier3A_128)
    %mul3A_129 = arith.constant 640 : i32
    %mul3A_130 = arith.muli %arg1, %mul3A_129 : i32
    %mul3A_131 = arith.constant 640 : i32
    %mul3A_132 = arith.muli %arg1, %mul3A_131 : i32
    "tpu.region"() ({
      %run_scoped3A = tpu.sem_alloc : memref<!tpu.dma_semaphore, #tpu.memory_space<semaphore_mem>>
      %dma_start3A_133 = arith.constant 0 : i32
      %dma_start3A_134 = arith.constant 0 : i32
      %dma_start3A_135 = tpu.memref_slice %arg6[%sub3A_0, %dma_start3A_133, %dma_start3A_134] : memref<2x10240x128xf32, #tpu.memory_space<hbm>> -> memref<1x10240x128xf32, #tpu.memory_space<hbm>>
      %dma_start3A_136 = tpu.memref_squeeze %dma_start3A_135 : memref<1x10240x128xf32, #tpu.memory_space<hbm>> -> memref<10240x128xf32, #tpu.memory_space<hbm>>
      %dma_start3A_137 = arith.constant 0 : i32
      %dma_start3A_138 = tpu.memref_slice %dma_start3A_136[%mul3A_132, %dma_start3A_137] : memref<10240x128xf32, #tpu.memory_space<hbm>> -> memref<640x128xf32, #tpu.memory_space<hbm>>
      %dma_start3A_139 = arith.constant 0 : i32
      %dma_start3A_140 = tpu.memref_slice %arg13[%mul3A_130, %dma_start3A_139] : memref<10240x128xf32, #tpu.memory_space<vmem_shared>> -> memref<640x128xf32, #tpu.memory_space<vmem_shared>>
      tpu.enqueue_dma source(%dma_start3A_140 : memref<640x128xf32, #tpu.memory_space<vmem_shared>>) target(%dma_start3A_138 : memref<640x128xf32, #tpu.memory_space<hbm>>) target_semaphore(%run_scoped3A : memref<!tpu.dma_semaphore, #tpu.memory_space<semaphore_mem>>)
      %dma_wait3A_141 = arith.constant 0 : i32
      %dma_wait3A_142 = arith.constant 0 : i32
      %dma_wait3A_143 = tpu.memref_slice %arg6[%sub3A_0, %dma_wait3A_141, %dma_wait3A_142] : memref<2x10240x128xf32, #tpu.memory_space<hbm>> -> memref<1x10240x128xf32, #tpu.memory_space<hbm>>
      %dma_wait3A_144 = tpu.memref_squeeze %dma_wait3A_143 : memref<1x10240x128xf32, #tpu.memory_space<hbm>> -> memref<10240x128xf32, #tpu.memory_space<hbm>>
      %dma_wait3A_145 = arith.constant 0 : i32
      %dma_wait3A_146 = tpu.memref_slice %dma_wait3A_144[%mul3A_132, %dma_wait3A_145] : memref<10240x128xf32, #tpu.memory_space<hbm>> -> memref<640x128xf32, #tpu.memory_space<hbm>>
      %dma_wait3A_147 = arith.constant 0 : i32
      %dma_wait3A_148 = tpu.memref_slice %arg13[%mul3A_130, %dma_wait3A_147] : memref<10240x128xf32, #tpu.memory_space<vmem_shared>> -> memref<640x128xf32, #tpu.memory_space<vmem_shared>>
      tpu.wait_dma2 semaphore(%run_scoped3A : memref<!tpu.dma_semaphore, #tpu.memory_space<semaphore_mem>>) src(%dma_wait3A_148 : memref<640x128xf32, #tpu.memory_space<vmem_shared>>) dst(%dma_wait3A_146 : memref<640x128xf32, #tpu.memory_space<hbm>>)
      tpu.yield
    }) : () -> ()
    return
  }
}

module attributes {stable_mosaic.version = 14 : i64} {
  func.func @_mm_body(%arg0: i32, %arg1: i32, %arg2: memref<400x256xf32, #tpu.memory_space<vmem>>, %arg3: memref<1x256x256xf32, #tpu.memory_space<vmem>>, %arg4: memref<1x1x256xf32, #tpu.memory_space<vmem>>, %arg5: memref<2x400x128xf32, #tpu.memory_space<vmem>>) attributes {dimension_semantics = [#tpu.dimension_semantics<arbitrary>, #tpu.dimension_semantics<arbitrary>], iteration_bounds = array<i64: 3, 25>, scalar_prefetch = 0 : i64, scratch_operands = 0 : i64, tpu.core_type = #tpu.core_type<tc>, window_params = [{transform_indices = @transform_0, window_bounds = array<i64: 400, 256>}, {transform_indices = @transform_1, window_bounds = array<i64: 1, 256, 256>}, {transform_indices = @transform_2, window_bounds = array<i64: 1, 1, 256>}, {transform_indices = @transform_3, window_bounds = array<i64: 2, 400, 128>}]} {
    %get3A = arith.constant 0 : index
    %get3A_0 = arith.constant 0 : index
    %get3A_1 = vector.load %arg2[%get3A, %get3A_0] : memref<400x256xf32, #tpu.memory_space<vmem>>, vector<400x256xf32>
    %get3A_2 = arith.constant 0 : index
    %get3A_3 = arith.constant 0 : index
    %get3A_4 = arith.constant 0 : index
    %get3A_5 = vector.load %arg3[%get3A_2, %get3A_3, %get3A_4] : memref<1x256x256xf32, #tpu.memory_space<vmem>>, vector<1x256x256xf32>
    %get3A_6 = vector.shape_cast %get3A_5 : vector<1x256x256xf32> to vector<256x256xf32>
    %dot_general3A = arith.constant dense<0.000000e+00> : vector<400x256xf32>
    %dot_general3A_7 = tpu.matmul %get3A_1, %get3A_6, %dot_general3A {dimension_numbers = #tpu.dot_dimension_numbers<[1], [0], [0], [1], [0, 0, 1, 1], [], []>, transpose_lhs_hint = false} : vector<400x256xf32>, vector<256x256xf32>, vector<400x256xf32> -> vector<400x256xf32>
    %get3A_8 = arith.constant 0 : index
    %get3A_9 = arith.constant 0 : index
    %get3A_10 = arith.constant 0 : index
    %get3A_11 = vector.load %arg4[%get3A_8, %get3A_9, %get3A_10] : memref<1x1x256xf32, #tpu.memory_space<vmem>>, vector<1x1x256xf32>
    %get3A_12 = vector.shape_cast %get3A_11 : vector<1x1x256xf32> to vector<256xf32>
    %broadcast_in_dim3A = vector.shape_cast %get3A_12 : vector<256xf32> to vector<1x256xf32>
    %add3A = vector.broadcast %broadcast_in_dim3A : vector<1x256xf32> to vector<400x256xf32>
    %add3A_13 = arith.addf %dot_general3A_7, %add3A : vector<400x256xf32>
    %slice3A = vector.extract_strided_slice %add3A_13 {offsets = [0, 0], sizes = [400, 128], strides = [1, 1]} : vector<400x256xf32> to vector<400x128xf32>
    %swap3A = arith.constant 0 : index
    %swap3A_14 = arith.constant 0 : index
    %swap3A_15 = arith.constant 0 : index
    %swap3A_16 = vector.load %arg5[%swap3A, %swap3A_14, %swap3A_15] : memref<2x400x128xf32, #tpu.memory_space<vmem>>, vector<1x400x128xf32>
    %swap3A_17 = vector.shape_cast %swap3A_16 : vector<1x400x128xf32> to vector<400x128xf32>
    %swap3A_18 = vector.shape_cast %slice3A : vector<400x128xf32> to vector<1x400x128xf32>
    tpu.vector_store %arg5[%swap3A, %swap3A_14, %swap3A_15], %swap3A_18 {strides = array<i32>} : memref<2x400x128xf32, #tpu.memory_space<vmem>>, vector<1x400x128xf32>,
    %slice3A_19 = vector.extract_strided_slice %add3A_13 {offsets = [0, 128], sizes = [400, 128], strides = [1, 1]} : vector<400x256xf32> to vector<400x128xf32>
    %swap3A_20 = arith.constant 1 : index
    %swap3A_21 = arith.constant 0 : index
    %swap3A_22 = arith.constant 0 : index
    %swap3A_23 = vector.load %arg5[%swap3A_20, %swap3A_21, %swap3A_22] : memref<2x400x128xf32, #tpu.memory_space<vmem>>, vector<1x400x128xf32>
    %swap3A_24 = vector.shape_cast %swap3A_23 : vector<1x400x128xf32> to vector<400x128xf32>
    %swap3A_25 = vector.shape_cast %slice3A_19 : vector<400x128xf32> to vector<1x400x128xf32>
    tpu.vector_store %arg5[%swap3A_20, %swap3A_21, %swap3A_22], %swap3A_25 {strides = array<i32>} : memref<2x400x128xf32, #tpu.memory_space<vmem>>, vector<1x400x128xf32>,
    return
  }
  func.func @transform_0(%arg0: i32, %arg1: i32) -> (i32, i32) {
    %c0_i32 = arith.constant 0 : i32
    %c0_i32_0 = arith.constant 0 : i32
    return %arg1, %c0_i32 : i32, i32
  }
  func.func @transform_1(%arg0: i32, %arg1: i32) -> (i32, i32, i32) {
    %c0_i32 = arith.constant 0 : i32
    %c0_i32_0 = arith.constant 0 : i32
    %c0_i32_1 = arith.constant 0 : i32
    return %arg0, %c0_i32, %c0_i32_0 : i32, i32, i32
  }
  func.func @transform_2(%arg0: i32, %arg1: i32) -> (i32, i32, i32) {
    %c0_i32 = arith.constant 0 : i32
    %c0_i32_0 = arith.constant 0 : i32
    %c0_i32_1 = arith.constant 0 : i32
    return %arg0, %c0_i32, %c0_i32_0 : i32, i32, i32
  }
  func.func @transform_3(%arg0: i32, %arg1: i32) -> (i32, i32, i32) {
    %mul3A = arith.constant 25 : i32
    %mul3A_0 = arith.muli %arg0, %mul3A : i32
    %add3A = arith.addi %mul3A_0, %arg1 : i32
    %c0_i32 = arith.constant 0 : i32
    %c0_i32_1 = arith.constant 0 : i32
    %c0_i32_2 = arith.constant 0 : i32
    return %c0_i32, %add3A, %c0_i32_1 : i32, i32, i32
  }
}

module attributes {stable_mosaic.version = 14 : i64} {
  func.func @_bn_body(%arg0: i32, %arg1: i32, %arg2: memref<2x400x128xf32, #tpu.memory_space<vmem>>, %arg3: memref<400x256xf32, #tpu.memory_space<vmem>>, %arg4: memref<2x128xf32, #tpu.memory_space<vmem>>, %arg5: memref<2x128xf32, #tpu.memory_space<vmem>>, %arg6: memref<400x256xf32, #tpu.memory_space<vmem>>, %arg7: memref<2x2x128xf32, #tpu.memory_space<vmem>>) attributes {dimension_semantics = [#tpu.dimension_semantics<arbitrary>, #tpu.dimension_semantics<arbitrary>], iteration_bounds = array<i64: 2, 25>, scalar_prefetch = 0 : i64, scratch_operands = 1 : i64, tpu.core_type = #tpu.core_type<tc>, window_params = [{transform_indices = @transform_0, window_bounds = array<i64: 2, 400, 128>}, {transform_indices = @transform_1, window_bounds = array<i64: 400, 256>}, {pipeline_mode = #tpu.pipeline_mode<synchronous>, transform_indices = @transform_2, window_bounds = array<i64: 2, 128>}, {pipeline_mode = #tpu.pipeline_mode<synchronous>, transform_indices = @transform_3, window_bounds = array<i64: 2, 128>}, {transform_indices = @transform_4, window_bounds = array<i64: 400, 256>}]} {
    %eq3A = arith.constant 0 : i32
    %eq3A_0 = arith.cmpi eq, %arg0, %eq3A : i32
    %eq3A_1 = arith.constant 0 : i32
    %eq3A_2 = arith.cmpi eq, %arg1, %eq3A_1 : i32
    %and3A = arith.andi %eq3A_0, %eq3A_2 : i1
    %convert_element_type3A = arith.extui %and3A : i1 to i32
    %cond3A = arith.constant 0 : i32
    %cond3A_3 = arith.cmpi ne, %convert_element_type3A, %cond3A : i32
    scf.if %cond3A_3 {
      %broadcast_in_dim3A = arith.constant 0.000000e+00 : f32
      %broadcast_in_dim3A_14 = vector.broadcast %broadcast_in_dim3A : f32 to vector<2x2x128xf32>
      %swap3A = arith.constant 0 : index
      %swap3A_15 = arith.constant 0 : index
      %swap3A_16 = arith.constant 0 : index
      %swap3A_17 = vector.load %arg7[%swap3A, %swap3A_15, %swap3A_16] : memref<2x2x128xf32, #tpu.memory_space<vmem>>, vector<2x2x128xf32>
      tpu.vector_store %arg7[%swap3A, %swap3A_15, %swap3A_16], %broadcast_in_dim3A_14 {strides = array<i32>} : memref<2x2x128xf32, #tpu.memory_space<vmem>>, vector<2x2x128xf32>,
    } else {
    }
    %eq3A_4 = arith.constant 0 : i32
    %eq3A_5 = arith.cmpi eq, %arg0, %eq3A_4 : i32
    %convert_element_type3A_6 = arith.extui %eq3A_5 : i1 to i32
    %cond3A_7 = arith.constant 0 : i32
    %cond3A_8 = arith.cmpi ne, %convert_element_type3A_6, %cond3A_7 : i32
    scf.if %cond3A_8 {
      %get3A = arith.constant 0 : index
      %get3A_14 = arith.constant 0 : index
      %get3A_15 = arith.constant 0 : index
      %get3A_16 = vector.load %arg2[%get3A, %get3A_14, %get3A_15] : memref<2x400x128xf32, #tpu.memory_space<vmem>>, vector<2x400x128xf32>
      %get3A_17 = arith.constant 0 : index
      %get3A_18 = arith.constant 0 : index
      %get3A_19 = arith.constant 0 : index
      %get3A_20 = vector.load %arg7[%get3A_17, %get3A_18, %get3A_19] : memref<2x2x128xf32, #tpu.memory_space<vmem>>, vector<1x2x128xf32>
      %get3A_21 = vector.shape_cast %get3A_20 : vector<1x2x128xf32> to vector<2x128xf32>
      %reduce_sum3A = arith.constant dense<0.000000e+00> : vector<2x128xf32>
      %reduce_sum3A_22 = vector.multi_reduction <add>, %get3A_16, %reduce_sum3A [1] : vector<2x400x128xf32> to vector<2x128xf32>
      %add3A = arith.addf %get3A_21, %reduce_sum3A_22 : vector<2x128xf32>
      %swap3A = arith.constant 0 : index
      %swap3A_23 = arith.constant 0 : index
      %swap3A_24 = arith.constant 0 : index
      %swap3A_25 = vector.load %arg7[%swap3A, %swap3A_23, %swap3A_24] : memref<2x2x128xf32, #tpu.memory_space<vmem>>, vector<1x2x128xf32>
      %swap3A_26 = vector.shape_cast %swap3A_25 : vector<1x2x128xf32> to vector<2x128xf32>
      %swap3A_27 = vector.shape_cast %add3A : vector<2x128xf32> to vector<1x2x128xf32>
      tpu.vector_store %arg7[%swap3A, %swap3A_23, %swap3A_24], %swap3A_27 {strides = array<i32>} : memref<2x2x128xf32, #tpu.memory_space<vmem>>, vector<1x2x128xf32>,
      %get3A_28 = arith.constant 1 : index
      %get3A_29 = arith.constant 0 : index
      %get3A_30 = arith.constant 0 : index
      %get3A_31 = vector.load %arg7[%get3A_28, %get3A_29, %get3A_30] : memref<2x2x128xf32, #tpu.memory_space<vmem>>, vector<1x2x128xf32>
      %get3A_32 = vector.shape_cast %get3A_31 : vector<1x2x128xf32> to vector<2x128xf32>
      %mul3A = arith.mulf %get3A_16, %get3A_16 : vector<2x400x128xf32>
      %reduce_sum3A_33 = arith.constant dense<0.000000e+00> : vector<2x128xf32>
      %reduce_sum3A_34 = vector.multi_reduction <add>, %mul3A, %reduce_sum3A_33 [1] : vector<2x400x128xf32> to vector<2x128xf32>
      %add3A_35 = arith.addf %get3A_32, %reduce_sum3A_34 : vector<2x128xf32>
      %swap3A_36 = arith.constant 1 : index
      %swap3A_37 = arith.constant 0 : index
      %swap3A_38 = arith.constant 0 : index
      %swap3A_39 = vector.load %arg7[%swap3A_36, %swap3A_37, %swap3A_38] : memref<2x2x128xf32, #tpu.memory_space<vmem>>, vector<1x2x128xf32>
      %swap3A_40 = vector.shape_cast %swap3A_39 : vector<1x2x128xf32> to vector<2x128xf32>
      %swap3A_41 = vector.shape_cast %add3A_35 : vector<2x128xf32> to vector<1x2x128xf32>
      tpu.vector_store %arg7[%swap3A_36, %swap3A_37, %swap3A_38], %swap3A_41 {strides = array<i32>} : memref<2x2x128xf32, #tpu.memory_space<vmem>>, vector<1x2x128xf32>,
    } else {
    }
    %eq3A_9 = arith.constant 1 : i32
    %eq3A_10 = arith.cmpi eq, %arg0, %eq3A_9 : i32
    %convert_element_type3A_11 = arith.extui %eq3A_10 : i1 to i32
    %cond3A_12 = arith.constant 0 : i32
    %cond3A_13 = arith.cmpi ne, %convert_element_type3A_11, %cond3A_12 : i32
    scf.if %cond3A_13 {
      %get3A = arith.constant 0 : index
      %get3A_14 = arith.constant 0 : index
      %get3A_15 = arith.constant 0 : index
      %get3A_16 = vector.load %arg7[%get3A, %get3A_14, %get3A_15] : memref<2x2x128xf32, #tpu.memory_space<vmem>>, vector<1x2x128xf32>
      %get3A_17 = vector.shape_cast %get3A_16 : vector<1x2x128xf32> to vector<2x128xf32>
      %div3A = arith.constant 1.000000e+04 : f32
      %div3A_18 = vector.broadcast %div3A : f32 to vector<2x128xf32>
      %div3A_19 = arith.divf %get3A_17, %div3A_18 : vector<2x128xf32>
      %get3A_20 = arith.constant 1 : index
      %get3A_21 = arith.constant 0 : index
      %get3A_22 = arith.constant 0 : index
      %get3A_23 = vector.load %arg7[%get3A_20, %get3A_21, %get3A_22] : memref<2x2x128xf32, #tpu.memory_space<vmem>>, vector<1x2x128xf32>
      %get3A_24 = vector.shape_cast %get3A_23 : vector<1x2x128xf32> to vector<2x128xf32>
      %div3A_25 = arith.constant 1.000000e+04 : f32
      %div3A_26 = vector.broadcast %div3A_25 : f32 to vector<2x128xf32>
      %div3A_27 = arith.divf %get3A_24, %div3A_26 : vector<2x128xf32>
      %mul3A = arith.mulf %div3A_19, %div3A_19 : vector<2x128xf32>
      %sub3A = arith.subf %div3A_27, %mul3A : vector<2x128xf32>
      %add3A = arith.constant 9.99999974E-6 : f32
      %add3A_28 = vector.broadcast %add3A : f32 to vector<2x128xf32>
      %add3A_29 = arith.addf %sub3A, %add3A_28 : vector<2x128xf32>
      %rsqrt3A = math.rsqrt %add3A_29 : vector<2x128xf32>
      %get3A_30 = arith.constant 0 : index
      %get3A_31 = arith.constant 0 : index
      %get3A_32 = vector.load %arg4[%get3A_30, %get3A_31] : memref<2x128xf32, #tpu.memory_space<vmem>>, vector<2x128xf32>
      %mul3A_33 = arith.mulf %rsqrt3A, %get3A_32 : vector<2x128xf32>
      %get3A_34 = arith.constant 0 : index
      %get3A_35 = arith.constant 0 : index
      %get3A_36 = arith.constant 0 : index
      %get3A_37 = vector.load %arg2[%get3A_34, %get3A_35, %get3A_36] : memref<2x400x128xf32, #tpu.memory_space<vmem>>, vector<1x400x128xf32>
      %get3A_38 = vector.shape_cast %get3A_37 : vector<1x400x128xf32> to vector<400x128xf32>
      %slice3A = vector.extract_strided_slice %div3A_19 {offsets = [0, 0], sizes = [1, 128], strides = [1, 1]} : vector<2x128xf32> to vector<1x128xf32>
      %squeeze3A = vector.shape_cast %slice3A : vector<1x128xf32> to vector<128xf32>
      %broadcast_in_dim3A = vector.shape_cast %squeeze3A : vector<128xf32> to vector<1x128xf32>
      %sub3A_39 = vector.broadcast %broadcast_in_dim3A : vector<1x128xf32> to vector<400x128xf32>
      %sub3A_40 = arith.subf %get3A_38, %sub3A_39 : vector<400x128xf32>
      %slice3A_41 = vector.extract_strided_slice %mul3A_33 {offsets = [0, 0], sizes = [1, 128], strides = [1, 1]} : vector<2x128xf32> to vector<1x128xf32>
      %squeeze3A_42 = vector.shape_cast %slice3A_41 : vector<1x128xf32> to vector<128xf32>
      %broadcast_in_dim3A_43 = vector.shape_cast %squeeze3A_42 : vector<128xf32> to vector<1x128xf32>
      %mul3A_44 = vector.broadcast %broadcast_in_dim3A_43 : vector<1x128xf32> to vector<400x128xf32>
      %mul3A_45 = arith.mulf %sub3A_40, %mul3A_44 : vector<400x128xf32>
      %get3A_46 = arith.constant 0 : index
      %get3A_47 = arith.constant 0 : index
      %get3A_48 = vector.load %arg5[%get3A_46, %get3A_47] : memref<2x128xf32, #tpu.memory_space<vmem>>, vector<1x128xf32>
      %get3A_49 = vector.shape_cast %get3A_48 : vector<1x128xf32> to vector<128xf32>
      %broadcast_in_dim3A_50 = vector.shape_cast %get3A_49 : vector<128xf32> to vector<1x128xf32>
      %add3A_51 = vector.broadcast %broadcast_in_dim3A_50 : vector<1x128xf32> to vector<400x128xf32>
      %add3A_52 = arith.addf %mul3A_45, %add3A_51 : vector<400x128xf32>
      %max3A = arith.constant 0.000000e+00 : f32
      %max3A_53 = vector.broadcast %max3A : f32 to vector<400x128xf32>
      %max3A_54 = arith.maximumf %add3A_52, %max3A_53 : vector<400x128xf32>
      %get3A_55 = arith.constant 0 : index
      %get3A_56 = arith.constant 0 : index
      %get3A_57 = vector.load %arg3[%get3A_55, %get3A_56] : memref<400x256xf32, #tpu.memory_space<vmem>>, vector<400x128xf32>
      %add3A_58 = arith.addf %max3A_54, %get3A_57 : vector<400x128xf32>
      %swap3A = arith.constant 0 : index
      %swap3A_59 = arith.constant 0 : index
      %swap3A_60 = vector.load %arg6[%swap3A, %swap3A_59] : memref<400x256xf32, #tpu.memory_space<vmem>>, vector<400x128xf32>
      tpu.vector_store %arg6[%swap3A, %swap3A_59], %add3A_58 {strides = array<i32>} : memref<400x256xf32, #tpu.memory_space<vmem>>, vector<400x128xf32>,
      %get3A_61 = arith.constant 1 : index
      %get3A_62 = arith.constant 0 : index
      %get3A_63 = arith.constant 0 : index
      %get3A_64 = vector.load %arg2[%get3A_61, %get3A_62, %get3A_63] : memref<2x400x128xf32, #tpu.memory_space<vmem>>, vector<1x400x128xf32>
      %get3A_65 = vector.shape_cast %get3A_64 : vector<1x400x128xf32> to vector<400x128xf32>
      %slice3A_66 = vector.extract_strided_slice %div3A_19 {offsets = [1, 0], sizes = [1, 128], strides = [1, 1]} : vector<2x128xf32> to vector<1x128xf32>
      %squeeze3A_67 = vector.shape_cast %slice3A_66 : vector<1x128xf32> to vector<128xf32>
      %broadcast_in_dim3A_68 = vector.shape_cast %squeeze3A_67 : vector<128xf32> to vector<1x128xf32>
      %sub3A_69 = vector.broadcast %broadcast_in_dim3A_68 : vector<1x128xf32> to vector<400x128xf32>
      %sub3A_70 = arith.subf %get3A_65, %sub3A_69 : vector<400x128xf32>
      %slice3A_71 = vector.extract_strided_slice %mul3A_33 {offsets = [1, 0], sizes = [1, 128], strides = [1, 1]} : vector<2x128xf32> to vector<1x128xf32>
      %squeeze3A_72 = vector.shape_cast %slice3A_71 : vector<1x128xf32> to vector<128xf32>
      %broadcast_in_dim3A_73 = vector.shape_cast %squeeze3A_72 : vector<128xf32> to vector<1x128xf32>
      %mul3A_74 = vector.broadcast %broadcast_in_dim3A_73 : vector<1x128xf32> to vector<400x128xf32>
      %mul3A_75 = arith.mulf %sub3A_70, %mul3A_74 : vector<400x128xf32>
      %get3A_76 = arith.constant 1 : index
      %get3A_77 = arith.constant 0 : index
      %get3A_78 = vector.load %arg5[%get3A_76, %get3A_77] : memref<2x128xf32, #tpu.memory_space<vmem>>, vector<1x128xf32>
      %get3A_79 = vector.shape_cast %get3A_78 : vector<1x128xf32> to vector<128xf32>
      %broadcast_in_dim3A_80 = vector.shape_cast %get3A_79 : vector<128xf32> to vector<1x128xf32>
      %add3A_81 = vector.broadcast %broadcast_in_dim3A_80 : vector<1x128xf32> to vector<400x128xf32>
      %add3A_82 = arith.addf %mul3A_75, %add3A_81 : vector<400x128xf32>
      %max3A_83 = arith.constant 0.000000e+00 : f32
      %max3A_84 = vector.broadcast %max3A_83 : f32 to vector<400x128xf32>
      %max3A_85 = arith.maximumf %add3A_82, %max3A_84 : vector<400x128xf32>
      %get3A_86 = arith.constant 0 : index
      %get3A_87 = arith.constant 128 : index
      %get3A_88 = vector.load %arg3[%get3A_86, %get3A_87] : memref<400x256xf32, #tpu.memory_space<vmem>>, vector<400x128xf32>
      %add3A_89 = arith.addf %max3A_85, %get3A_88 : vector<400x128xf32>
      %swap3A_90 = arith.constant 0 : index
      %swap3A_91 = arith.constant 128 : index
      %swap3A_92 = vector.load %arg6[%swap3A_90, %swap3A_91] : memref<400x256xf32, #tpu.memory_space<vmem>>, vector<400x128xf32>
      tpu.vector_store %arg6[%swap3A_90, %swap3A_91], %add3A_89 {strides = array<i32>} : memref<400x256xf32, #tpu.memory_space<vmem>>, vector<400x128xf32>,
    } else {
    }
    return
  }
  func.func @transform_0(%arg0: i32, %arg1: i32) -> (i32, i32, i32) {
    %c0_i32 = arith.constant 0 : i32
    %c0_i32_0 = arith.constant 0 : i32
    %c0_i32_1 = arith.constant 0 : i32
    return %c0_i32, %arg1, %c0_i32_0 : i32, i32, i32
  }
  func.func @transform_1(%arg0: i32, %arg1: i32) -> (i32, i32) {
    %c0_i32 = arith.constant 0 : i32
    %c0_i32_0 = arith.constant 0 : i32
    return %arg1, %c0_i32 : i32, i32
  }
  func.func @transform_2(%arg0: i32, %arg1: i32) -> (i32, i32) {
    %c0_i32 = arith.constant 0 : i32
    %c0_i32_0 = arith.constant 0 : i32
    %c0_i32_1 = arith.constant 0 : i32
    return %c0_i32, %c0_i32_0 : i32, i32
  }
  func.func @transform_3(%arg0: i32, %arg1: i32) -> (i32, i32) {
    %c0_i32 = arith.constant 0 : i32
    %c0_i32_0 = arith.constant 0 : i32
    %c0_i32_1 = arith.constant 0 : i32
    return %c0_i32, %c0_i32_0 : i32, i32
  }
  func.func @transform_4(%arg0: i32, %arg1: i32) -> (i32, i32) {
    %c0_i32 = arith.constant 0 : i32
    %c0_i32_0 = arith.constant 0 : i32
    return %arg1, %c0_i32 : i32, i32
  }
}

</mosaic_0001>

<sc_bundles>
// kernel: kernel.5.cloned.1.call-start
scs
__scs_entry_jumppad:
0x0: {  	(pc) =	sbr.rel $0x88, $3  }
0x1: {  	(tag) =	ssettag $0x0;
	lr =	simm.s32 $0x1  }
0x2: {  	[smem:$0x3F9B] =	sst lr;
	_ =	strace $0xD0000000  }
0x3: {  	_ = 	snop  }
0x4: {  	_ = 	snop  }
0x5: {  	_ = 	snop  }
0x6: {  	_ = 	snop  }
0x7: {  	_ = 	snop  }
__scs_overlays_trampoline_lowered:
0x8: {  	[smem:$0x3FAA] =	sst s0  }
0x9: {  	[smem:$0x3FAB] =	sst s1  }
0xa: {  	[smem:$0x3FAC] =	sst s2  }
0xb: {  	[smem:$0x3FAD] =	sst s3  }
0xc: {  	[smem:$0x3FAE] =	sst s4  }
0xd: {  	[smem:$0x3FAF] =	sst s5  }
0xe: {  	[smem:$0x3FB0] =	sst s6  }
0xf: {  	[smem:$0x3FB1] =	sst s7  }
0x10: {  	[smem:$0x3FB2] =	sst s8  }
0x11: {  	[smem:$0x3FB3] =	sst s9;
	s0 =	simm.s32 @!p0 $0x0  }
0x12: {  	s1 =	sld [smem:$0x3F99];
	s0 =	simm.s32 @p0 $0x1  }
0x13: {  	[smem:$0x3FB4] =	sst s0;
	s0 =	simm.s32 @!p1 $0x0  }
0x14: {  	s2 =	sld [smem:$0x3F98];
	s0 =	simm.s32 @p1 $0x1  }
0x15: {  	[smem:$0x3FB5] =	sst s0;
	s0 =	simm.s32 @!p2 $0x0  }
0x16: {  	s3 =	sld [smem:$0x3FDB];
	s0 =	simm.s32 @p2 $0x1  }
0x17: {  	s4 =	simm.s32 $0x1BF5;
	[smem:$0x3FB7] =	sst s0  }
0x18: {  	s0 =	sld [smem:$0x3F9A];
	_ =	swait.ge [sflag:s4], $0x0  }
0x19: {  	s7 =	sld [smem:$0x3F9B]  }
0x1a: {  	s8 =	sadd.s32 $0xFFFFE003, lr  }
0x1b: {  	s9 =	sadd.s32 $0xFFFFFEF7, lr;
	s5 =	simm.s32 $0xFFFFFFFF;
	p2 =	slt.u32 s8, $0xFFFFF086  }
0x1c: {  	p1 =	slt.u32 s9, $0xF7A;
	s5 =	simm.s32 @!p2 $0x0  }
0x1d: {  	s5 =	simm.s32 @p1 $0x1;
	p0 =	seq.s32 s7, s2  }
0x1e: {  	s7 =	smul.u32 @!p0 $0xF7A, s2;
	p2 =	seq.s32 @!p0 s5, $0x0  }
0x1f: {  	s9 =	smul.u32 $0xF7A, s1;
	s8 =	simm.s32 @!p0 $0x1BF5;
	p2 =	por !p2, p0  }
0x20: {  	[sflag:s8] =	ssyncset.s32 @!p0 $0xFFFFF086;
	s6 =	sadd.s32 @!p0 s3, s7;
	s7 =	simm.s32 @!p0 $0x108  }
0x21: {  	s3 =	sadd.s32 s3, s9;
	s6 =	sadd.s32 @!p0 $0x88, s6;
	s7 =	simm.s32 @p2 $0x1082  }
0x22: {  	[simem:s7], [sflag:s8] =	dma.local @!p0 [hbm:s6], $0xF7A  }
0x23: {  	s9 =	sor.u32 $0xD0000000, s2;
	s6 =	simm.s32 $0x108;
	_ =	swait.ge @!p0 [sflag:s8], $0x0  }
0x24: {  	s3 =	sadd.s32 $0x88, s3;
	s6 =	simm.s32 @!p1 $0x1082;
	[sflag:s4] =	ssyncset.s32 $0xFFFFF086  }
0x25: {  	[simem:s6], [sflag:s4] =	dma.local [hbm:s3], $0xF7A  }
0x26: {  	[smem:$0x3F9B] =	sst s1;
	(tag) =	ssettag s2;
	_ =	strace s9  }
0x27: {  	s1 =	sld [smem:$0x3FAB]  }
0x28: {  	s2 =	sld [smem:$0x3FAC]  }
0x29: {  	s4 =	sld [smem:$0x3FAE]  }
0x2a: {  	p0 =	seq.s32 s5, $0x0;
	s5 =	sld [smem:$0x3FAF]  }
0x2b: {  	s6 =	sld [smem:$0x3FB0]  }
0x2c: {  	s7 =	sld [smem:$0x3FB1]  }
0x2d: {  	s3 =	simm.s32 $0x108;
	s8 =	sld [smem:$0x3FB2]  }
0x2e: {  	s3 =	simm.s32 @!p0 $0x1082;
	s9 =	sld [smem:$0x3FB3]  }
0x2f: {  	lr =	sadd.s32 s0, s3;
	s0 =	sld [smem:$0x3FAA]  }
0x30: {  	s3 =	sld [smem:$0x3FAD]  }
0x31: {  	[smem:$0x3FB6] =	sst s10  }
0x32: {  	s10 =	sld [smem:$0x3FB4];
	_ =	sdelay $0x3  }
0x33: {  	p0 =	seq.s32 s10, $0x1;
	s10 =	sld [smem:$0x3FB6];
	_ =	sdelay $0x3  }
0x34: {  	[smem:$0x3FB6] =	sst s10  }
0x35: {  	s10 =	sld [smem:$0x3FB5];
	_ =	sdelay $0x3  }
0x36: {  	p1 =	seq.s32 s10, $0x1;
	s10 =	sld [smem:$0x3FB6];
	_ =	sdelay $0x3  }
0x37: {  	[smem:$0x3FB6] =	sst s10  }
0x38: {  	s10 =	sld [smem:$0x3FB7]  }
0x39: {  	_ = 	snop;
	(pc) =	sbr.ind lr, $3  }
0x3a: {  	_ = 	snop  }
0x3b: {  	_ = 	snop  }
0x3c: {  	p2 =	seq.s32 s10, $0x1;
	s10 =	sld [smem:$0x3FB6]  }
0x3d: {  	_ =	shalt  }
0x3e: {  	_ =	shalt  }
0x3f: {  	_ =	shalt  }
0x40: {  	_ =	shalt  }
0x41: {  	_ =	shalt  }
0x42: {  	_ =	shalt  }
0x43: {  	_ =	shalt  }
0x44: {  	_ =	shalt  }
0x45: {  	_ =	shalt  }
0x46: {  	_ =	shalt  }
0x47: {  	_ =	shalt  }
0x48: {  	_ =	shalt  }
0x49: {  	_ =	shalt  }
0x4a: {  	_ =	shalt  }
0x4b: {  	_ =	shalt  }
0x4c: {  	_ =	shalt  }
0x4d: {  	_ =	shalt  }
0x4e: {  	_ =	shalt  }
0x4f: {  	_ =	shalt  }
0x50: {  	_ =	shalt  }
0x51: {  	_ =	shalt  }
0x52: {  	_ =	shalt  }
0x53: {  	_ =	shalt  }
0x54: {  	_ =	shalt  }
0x55: {  	_ =	shalt  }
0x56: {  	_ =	shalt  }
0x57: {  	_ =	shalt  }
0x58: {  	_ =	shalt  }
0x59: {  	_ =	shalt  }
0x5a: {  	_ =	shalt  }
0x5b: {  	_ =	shalt  }
0x5c: {  	_ =	shalt  }
0x5d: {  	_ =	shalt  }
0x5e: {  	_ =	shalt  }
0x5f: {  	_ =	shalt  }
0x60: {  	_ =	shalt  }
0x61: {  	_ =	shalt  }
0x62: {  	_ =	shalt  }
0x63: {  	_ =	shalt  }
0x64: {  	_ =	shalt  }
0x65: {  	_ =	shalt  }
0x66: {  	_ =	shalt  }
0x67: {  	_ =	shalt  }
0x68: {  	_ =	shalt  }
0x69: {  	_ =	shalt  }
0x6a: {  	_ =	shalt  }
0x6b: {  	_ =	shalt  }
0x6c: {  	_ =	shalt  }
0x6d: {  	_ =	shalt  }
0x6e: {  	_ =	shalt  }
0x6f: {  	_ =	shalt  }
0x70: {  	_ =	shalt  }
0x71: {  	_ =	shalt  }
0x72: {  	_ =	shalt  }
0x73: {  	_ =	shalt  }
0x74: {  	_ =	shalt  }
0x75: {  	_ =	shalt  }
0x76: {  	_ =	shalt  }
0x77: {  	_ =	shalt  }
0x78: {  	_ =	shalt  }
0x79: {  	_ =	shalt  }
0x7a: {  	_ =	shalt  }
0x7b: {  	_ =	shalt  }
0x7c: {  	_ =	shalt  }
0x7d: {  	_ =	shalt  }
0x7e: {  	_ =	shalt  }
0x7f: {  	_ =	shalt  }
0x80: {  	_ =	shalt  }
0x81: {  	_ =	shalt  }
0x82: {  	_ =	shalt  }
0x83: {  	_ =	shalt  }
0x84: {  	_ =	shalt  }
0x85: {  	_ =	shalt  }
0x86: {  	_ =	shalt  }
0x87: {  	_ =	shalt  }
.Lfunc_end0:
.L_simem_size_0:
called_computation_lowered:
.L_overlay_start_0:
0x88: {  	s2 =	sld [smem:$0x3FD9]  }
0x89: {  	s3 =	sld [smem:$0x3FFE];
	_ =	sdelay $0x1  }
0x8a: {  	s1 =	srdreg.scid  }
0x8b: {  	s0 =	sand.u32 $0x1, s1  }
0x8c: {  	s17 =	sshll.u32 s0, $0xA;
	s2 =	sadd.s32 s3, s2  }
0x8d: {  	s2 =	sadd.s32 s2, s17  }
0x8e: {  	[smem:$0x3FC2] =	sst s2  }
0x8f: {  	_ = 	snop  }
0x90: {  	s2 =	sld [smem:$0x3FD0];
	(tm) =	ssettm $0x1  }
0x91: {  	s18 =	sld [smem:$0x3FFB];
	_ =	sdelay $0x3  }
0x92: {  	_ =	strace s18  }
0x93: {  	s3 =	sld [smem:$0x3FFC];
	_ =	sdelay $0x3  }
0x94: {  	_ =	strace s3  }
0x95: {  	s3 =	sld [smem:$0x3FFD];
	_ =	sdelay $0x3  }
0x96: {  	_ =	strace s3  }
0x97: {  	_ =	strace $0x8FFFFFFF  }
0x98: {  	s19 =	sld [smem:$0x3FDB];
	_ =	sdelay $0x1  }
0x99: {  	s4 =	simm.s32 $_scs_section_size  }
0x9a: {  	s5 =	simm.s32 $_size__tile_overlayer_lowered;
	s6 =	simm.s32 $_tile_overlayer_lowered  }
0x9b: {  	s22 =	simm.s32 $0x1BFF;
	s21 =	sshll.u32 s6, $0x1;
	s3 =	sadd.s32 s4, s19  }
0x9c: {  	s7 =	simm.s32 $0x0;
	s20 =	sshll.u32 s5, $0x1;
	s5 =	sadd.s32 s21, s3  }
0x9d: {  	[timem:s7], [sflag:s22] =	dma.local [hbm:s5], s20  }
0x9e: {  	_ =	swait.ge [sflag:s22], s20  }
0x9f: {  	s4 =	ssub.s32 $0x0, s20;
	[sflag:s22] =	ssyncset.done $0x0  }
0xa0: {  	[sflag:s22] =	ssyncadd.s32 s4;
	_ =	sdelay $0x1  }
0xa1: {  	s23 =	simm.s32 $0x1B8B  }
0xa2: {  	_ =	swait.ge [sflag:s23], $0x1  }
0xa3: {  	[sflag:s23] =	ssyncset.done $0x0  }
0xa4: {  	s25 =	simm.s32 $0x1B8E;
	s24 =	sld [smem:$0x3FFE];
	[sflag:s23] =	ssyncadd.s32 $0xFFFFFFFF  }
0xa5: {  	s26 =	simm.s32 $execute0_lowered;
	[smem:$0x3FD2] =	sst s25  }
0xa6: {  	s5 =	sshll.u32 s26, $0x1;
	_ =	strace $0x80000046;
	[dreg:$0x1] =	wrdreg $0xFFFFFFFF  }
0xa7: {  	s28 =	simm.s32 $_size_execute0_lowered;
	s3 =	sadd.s32 s3, s5;
	[dreg:$0x0] =	wrdreg $0x0  }
0xa8: {  	s5 =	sshll.u32 s28, $0x1;
	[dreg:$0x2] =	wrdreg s3  }
0xa9: {  	[dreg:$0x3] =	wrdreg s5  }
0xaa: {  	[dreg:$0x4] =	wrdreg $0xC0  }
0xab: {  	_ =	task [dreg:s7], $0x5FFFF  }
0xac: {  	[dreg:$0x1] =	wrdreg $0xFFFFFFFF  }
0xad: {  	[dreg:$0x0] =	wrdreg $0x60  }
0xae: {  	[dreg:$0x2] =	wrdreg s24  }
0xaf: {  	[dreg:$0x3] =	wrdreg s2  }
0xb0: {  	[dreg:$0x4] =	wrdreg $0xB0000  }
0xb1: {  	[dreg:$0x5] =	wrdreg $0x9  }
0xb2: {  	_ =	task.clear_ibuf [dreg:s7], $0x6FFFF;
	_ =	strace $0x90000046  }
0xb3: {  	s29 =	simm.s32 $0x9;
	_ =	strace $0x80000048  }
0xb4: {  	_ =	swait.ge [sflag:s29], $0x1  }
0xb5: {  	[sflag:s29] =	ssyncadd.s32 $0xFFFFFFFF  }
0xb6: {  	_ =	strace $0x90000048  }
0xb7: {  	_ =	sfence  }
0xb8: {  	s30 =	sld [smem:$0x0];
	_ =	sdelay $0x2  }
0xb9: {  	s31 =	sshll.u32 s1, $0xD;
	s1 =	sshrl.u32 s1, $0x2  }
0xba: {  	s3 =	sand.u32 $0x4000, s31;
	s1 =	sadd.s32 s1, s30  }
0xbb: {  	s0 =	sor.u32 s3, s0;
	s1 =	sshll.u32 s1, $0x11  }
0xbc: {  	s0 =	sor.u32 s1, s0  }
0xbd: {  	s0 =	sadd.s32 $0x8F2B, s0  }
0xbe: {  	[sflag:s0] =	ssyncadd.remote.s32 $0x1  }
0xbf: {  	_ =	sfence.sel $0xFFFF  }
0xc0: {  	[dreg:$0x0] =	wrdreg $0xFFFFFFFF;
	(pc) =	sbr.abs _section_cstart, $3  }
0xc1: {  	[dreg:$0x1] =	wrdreg $0xFFFFFFFF  }
0xc2: {  	_ =	task.clear_ibuf [dreg:s7], $0x2FFFF;
	_ =	strace $0x9FFFFFFF  }
0xc3: {  	(tm) =	ssettm $0x7FFFFFFF  }
tec
execute0_lowered:
.L_overlay_start_1:
0x0: {  	(tag) =	ssettag $0x1  }
0x1: {  	s0 =	rddreg [dreg:$0x0]  }
0x2: {  	s2 =	rddreg [dreg:$0x1]  }
0x3: {  	s3 =	srdreg.scid;
	s1 =	rddreg [dreg:$0x2]  }
0x4: {  	s11 =	stileid.u32;
	s17 =	simm.s32 $0x1800;
	s18 =	simm.s32 $0x2400  }
0x5: {  	s28 =	simm.s32 $0x3;
	s29 =	simm.s32 $0x4;
	s30 =	simm.s32 $0x1700  }
0x6: {  	s31 =	simm.s32 $0x1780;
	s16 =	simm.s32 $0x1880;
	s7 =	smul.u32 $0xF00, s11  }
0x7: {  	s4 =	sand.u32 $0x1, s3;
	s3 =	simm.s32 $0x0;
	s19 =	smul.u32 $0x50000, s11  }
0x8: {  	s10 =	sadd.s32 $0xFA800, s0;
	s26 =	smul.u32 $0x2800, s11;
	s5 =	sxor.u32 $0x1, s4  }
0x9: {  	[smem:$0x7FF] =	sst s3;
	s4 =	ssub.s32 $0x2, s4;
	s6 =	smul.u32 $0x75300, s5  }
0xa: {  	_ =	strace $0x80000047;
	s5 =	smul.u32 $0x28000, s5;
	s9 =	sadd.s32 s7, s0  }
0xb: {  	[dreg:$0x4] =	wrdreg s10;
	s20 =	sshrl.u32 s4, $0x1;
	s21 =	sshrl.u32 s19, $0x2  }
0xc: {  	s19 =	simm.s32 $0x3000;
	s4 =	ssub.s32 s4, s20;
	s22 =	sadd.s32 $0x1380, s9  }
0xd: {  	s20 =	simm.s32 $0x7;
	s8 =	sadd.s32 s6, s0;
	s0 =	sadd.s32 s5, s0  }
0xe: {  	s5 =	sadd.s32 s2, s7;
	s6 =	sadd.s32 $0x1200, s9;
	s7 =	sadd.s32 s21, s1  }
0xf: {  	[dreg:$0x6] =	wrdreg s22;
	s15 =	smax.u32 s4, $0x1;
	s21 =	simm.s32 $0x5  }
0x10: {  	s22 =	simm.s32 $0x80;
	s4 =	simm.s32 $0x2F80;
	s2 =	sadd.s32 $0x180, s5  }
0x11: {  	s23 =	sadd.s32 $0x4000, s7;
	s24 =	sadd.s32 $0x8000, s7;
	[dreg:$0x5] =	wrdreg s2  }
.Ltmp0:
0x12: {  	s25 =	sadd.s32 $0xC000, s7;
	[dreg:$0x7] =	wrdreg s23;
	(pc) =	sbr.rel .LBB2_1-.Ltmp0, $4  }
0x13: {  	s13 =	sadd.s32 $0x10000, s7;
	s14 =	sadd.s32 $0x10200, s8;
	[dreg:$0x8] =	wrdreg s24  }
0x14: {  	s0 =	sadd.s32 $0xFB000, s0;
	s8 =	simm.s32 $0x0;
	[dreg:$0x9] =	wrdreg s25  }
0x15: {  	s23 =	simm.s32 $0x7000;
	s24 =	sadd.s32 s26, s0;
	s25 =	simm.s32 $0x1  }
0x16: {  	s26 =	simm.s32 $0x2;
	s0 =	simm.s32 $0x6;
	s2 =	simm.s32 $0x2F00  }
.LBB2_8:
0x17: {  	_ =	swait.ge [sflag:s29], $0x4000;
	s9 =	stileid.u32  }
0x18: {  	s10 =	sshrl.u32 s7, $0x3;
	s8 =	sadd.s32 $0x1, s8;
	[sflag:s29] =	ssyncset.done $0x0  }
0x19: {  	s9 =	sshll.u32 s9, $0x6;
	p0 =	sne.s32 s8, s15;
	[sflag:s29] =	ssyncadd.s32 $0xFFFFC000  }
.Ltmp1:
0x1a: {  	s9 =	sor.u32 $0x1C07, s9;
	[bflag:$0x0] =	sbarrier.arrive $0xFFFF;
	(pc) =	sbr.rel @!p0 .LBB2_9-.Ltmp1, $4  }
0x1b: {  	[hbm:s24], [sflag:s9] =	dma.local [spmem:s10], $0x2800  }
0x1c: {  	_ =	swait.ge [sflag:s20], $0x2800  }
0x1d: {  	[sflag:s20] =	ssyncset.done $0x0  }
0x1e: {  	[sflag:s20] =	ssyncadd.s32 $0xFFFFD800  }
.LBB2_1:
0x1f: {  	[tilespmem:s3], [sflag:$0x5] =	stream.linear.gather [hbm4b:s5+s3], $0xC00, $0x38;
	[tilespmem:$0x1F000] =	vst v63  }
0x20: {  	s9 =	simm.s32 $0xC00  }
0x21: {  	[tilespmem:s9], [sflag:$0x5] =	stream.linear.gather [hbm4b:s6+s3], $0xC00, $0x38;
	[tilespmem:$0x1F000] =	vst v63  }
0x22: {  	s10 =	rddreg [dreg:$0x5]  }
0x23: {  	[tilespmem:s17], [sflag:$0x6] =	stream.linear.gather [hbm4b:s10+s3], $0xC00, $0x38;
	[tilespmem:$0x1F000] =	vst v63  }
0x24: {  	s11 =	rddreg [dreg:$0x6]  }
0x25: {  	[tilespmem:s18], [sflag:$0x6] =	stream.linear.gather [hbm4b:s11+s3], $0xC00, $0x38;
	[tilespmem:$0x1F000] =	vst v63  }
0x26: {  	s12 =	rddreg [dreg:$0x4]  }
0x27: {  	[tilespmem:s19], [sflag:$0x7] =	stream.linear.gather [hbm4b:s12+s3], $0x4000, $0x38;
	[tilespmem:$0x1F000] =	vst v63  }
0x28: {  	_ =	swait.ge [sflag:s20], $0x4000  }
0x29: {  	[sflag:s20] =	ssyncset.done $0x0  }
0x2a: {  	[sflag:s20] =	ssyncadd.s32 $0xFFFFC000  }
0x2b: {  	[spmem:s7] =	stream.linear.scatter [tilespmem:s19], [sflag:$0x7], $0x4000, $0x38;
	[tilespmem:$0x1F000] =	vst v63  }
0x2c: {  	_ =	swait.ge [sflag:s20], $0x4000  }
0x2d: {  	[sflag:s20] =	ssyncset.done $0x0  }
0x2e: {  	s10 =	rddreg [dreg:$0x7];
	[sflag:s20] =	ssyncadd.s32 $0xFFFFC000  }
0x2f: {  	[spmem:s10] =	stream.linear.scatter [tilespmem:s19], [sflag:$0x7], $0x4000, $0x38;
	[tilespmem:$0x1F000] =	vst v63  }
0x30: {  	_ =	swait.ge [sflag:s20], $0x4000  }
0x31: {  	[sflag:s20] =	ssyncset.done $0x0  }
0x32: {  	s11 =	rddreg [dreg:$0x8];
	[sflag:s20] =	ssyncadd.s32 $0xFFFFC000  }
0x33: {  	[spmem:s11] =	stream.linear.scatter [tilespmem:s19], [sflag:$0x7], $0x4000, $0x38;
	[tilespmem:$0x1F000] =	vst v63  }
0x34: {  	_ =	swait.ge [sflag:s20], $0x4000  }
0x35: {  	[sflag:s20] =	ssyncset.done $0x0  }
0x36: {  	s12 =	rddreg [dreg:$0x9];
	[sflag:s20] =	ssyncadd.s32 $0xFFFFC000  }
0x37: {  	[spmem:s12] =	stream.linear.scatter [tilespmem:s19], [sflag:$0x7], $0x4000, $0x38;
	[tilespmem:$0x1F000] =	vst v63  }
0x38: {  	_ =	swait.ge [sflag:s20], $0x4000  }
0x39: {  	[sflag:s20] =	ssyncset.done $0x0  }
0x3a: {  	[sflag:s20] =	ssyncadd.s32 $0xFFFFC000  }
0x3b: {  	[spmem:s13] =	stream.linear.scatter [tilespmem:s19], [sflag:$0x7], $0x4000, $0x38;
	[tilespmem:$0x1F000] =	vst v63  }
0x3c: {  	_ =	swait.ge [sflag:s20], $0x4000  }
0x3d: {  	[sflag:s20] =	ssyncset.done $0x0  }
0x3e: {  	[sflag:s20] =	ssyncadd.s32 $0xFFFFC000  }
0x3f: {  	[bflag:$0x0] =	sbarrier.arrive $0xFFFF  }
0x40: {  	_ =	swait.ge [sflag:s21], $0xC00  }
0x41: {  	[sflag:s21] =	ssyncset.done $0x0  }
0x42: {  	[sflag:s21] =	ssyncadd.s32 $0xFFFFF400  }
0x43: {  	_ =	swait.ge [sflag:s21], $0xC00  }
0x44: {  	[sflag:s21] =	ssyncset.done $0x0  }
0x45: {  	[sflag:s21] =	ssyncadd.s32 $0xFFFFF400  }
0x46: {  	[tilespmem:s19], [sflag:$0x1] =	stream.indirect.gather [hbm4b:s14+s22], $0x80, s3, s22, $0xb8;
	[tilespmem:$0x1F000] =	vst v63  }
0x47: {  	s9 =	simm.s32 $0x0  }
0x48: {  	[tilespmem:s23], [sflag:$0x2] =	stream.indirect.gather [hbm4b:s14+s22], $0x80, s22, s22, $0xb8;
	[tilespmem:$0x1F000] =	vst v63  }
.LBB2_2:
0x49: {  	_ =	swait.ge [sflag:s25], $0x4000  }
0x4a: {  	[sflag:s25] =	ssyncset.done $0x0  }
0x4b: {  	s10 =	simm.s32 $0xC00;
	[sflag:s25] =	ssyncadd.s32 $0xFFFFC000  }
0x4c: {  	[spmem:s1] =	stream.indirect.scatter.add.f32 [tilespmem:s19], [sflag:$0x3], $0x80, s10, s22, $0xb8;
	[tilespmem:$0x1F000] =	vst v63  }
0x4d: {  	_ =	swait.ge [sflag:s26], $0x4000  }
0x4e: {  	[sflag:s26] =	ssyncset.done $0x0  }
0x4f: {  	s11 =	simm.s32 $0xC80;
	[sflag:s26] =	ssyncadd.s32 $0xFFFFC000  }
0x50: {  	[spmem:s1] =	stream.indirect.scatter.add.f32 [tilespmem:s23], [sflag:$0x4], $0x80, s11, s22, $0xb8;
	[tilespmem:$0x1F000] =	vst v63  }
0x51: {  	_ =	swait.ge [sflag:s28], $0x4000  }
0x52: {  	[sflag:s28] =	ssyncset.done $0x0  }
0x53: {  	s12 =	simm.s32 $0x100;
	[sflag:s28] =	ssyncadd.s32 $0xFFFFC000  }
0x54: {  	[tilespmem:s19], [sflag:$0x1] =	stream.indirect.gather [hbm4b:s14+s22], $0x80, s12, s22, $0xb8;
	[tilespmem:$0x1F000] =	vst v63  }
0x55: {  	_ =	swait.ge [sflag:s29], $0x4000  }
0x56: {  	[sflag:s29] =	ssyncset.done $0x0  }
0x57: {  	s10 =	simm.s32 $0x400;
	s11 =	simm.s32 $0x180;
	[sflag:s29] =	ssyncadd.s32 $0xFFFFC000  }
.LBB2_3:
0x58: {  	[tilespmem:s23], [sflag:$0x2] =	stream.indirect.gather [hbm4b:s14+s22], $0x80, s11, s22, $0xb8;
	[tilespmem:$0x1F000] =	vst v63  }
0x59: {  	s11 =	smov.u32 s10  }
0x5a: {  	p0 =	sne.s32 s10, $0x2800;
	s10 =	sadd.s32 $0x400, s10;
	_ =	swait.ge [sflag:s25], $0x4000  }
0x5b: {  	s11 =	sshra.s32 s11, $0x2;
	[sflag:s25] =	ssyncset.done $0x0  }
0x5c: {  	s12 =	sadd.s32 $0xC00, s11;
	[sflag:s25] =	ssyncadd.s32 $0xFFFFC000  }
0x5d: {  	[spmem:s1] =	stream.indirect.scatter.add.f32 [tilespmem:s19], [sflag:$0x3], $0x80, s12, s22, $0xb8;
	[tilespmem:$0x1F000] =	vst v63  }
0x5e: {  	_ =	swait.ge [sflag:s26], $0x4000  }
0x5f: {  	[sflag:s26] =	ssyncset.done $0x0  }
0x60: {  	s12 =	sadd.s32 $0xC80, s11;
	[sflag:s26] =	ssyncadd.s32 $0xFFFFC000  }
0x61: {  	[spmem:s1] =	stream.indirect.scatter.add.f32 [tilespmem:s23], [sflag:$0x4], $0x80, s12, s22, $0xb8;
	[tilespmem:$0x1F000] =	vst v63  }
0x62: {  	_ =	swait.ge [sflag:s28], $0x4000  }
0x63: {  	[sflag:s28] =	ssyncset.done $0x0  }
.Ltmp2:
0x64: {  	s12 =	sadd.s32 $0x100, s11;
	[sflag:s28] =	ssyncadd.s32 $0xFFFFC000;
	(pc) =	sbr.rel @p0 .LBB2_3-.Ltmp2, $4  }
0x65: {  	[tilespmem:s19], [sflag:$0x1] =	stream.indirect.gather [hbm4b:s14+s22], $0x80, s12, s22, $0xb8;
	[tilespmem:$0x1F000] =	vst v63  }
0x66: {  	_ =	swait.ge [sflag:s29], $0x4000  }
0x67: {  	[sflag:s29] =	ssyncset.done $0x0  }
0x68: {  	s11 =	sadd.s32 $0x180, s11;
	[sflag:s29] =	ssyncadd.s32 $0xFFFFC000  }
0x69: {  	[tilespmem:s23], [sflag:$0x2] =	stream.indirect.gather [hbm4b:s14+s22], $0x80, s11, s22, $0xb8;
	[tilespmem:$0x1F000] =	vst v63  }
0x6a: {  	_ =	swait.ge [sflag:s25], $0x4000  }
0x6b: {  	[sflag:s25] =	ssyncset.done $0x0  }
0x6c: {  	[sflag:s25] =	ssyncadd.s32 $0xFFFFC000  }
0x6d: {  	[spmem:s1] =	stream.indirect.scatter.add.f32 [tilespmem:s19], [sflag:$0x3], $0x80, s30, s22, $0xb8;
	[tilespmem:$0x1F000] =	vst v63  }
0x6e: {  	_ =	swait.ge [sflag:s26], $0x4000  }
0x6f: {  	[sflag:s26] =	ssyncset.done $0x0  }
0x70: {  	[sflag:s26] =	ssyncadd.s32 $0xFFFFC000  }
0x71: {  	[spmem:s1] =	stream.indirect.scatter.add.f32 [tilespmem:s23], [sflag:$0x4], $0x80, s31, s22, $0xb8;
	[tilespmem:$0x1F000] =	vst v63  }
0x72: {  	_ =	swait.ge [sflag:s28], $0x4000  }
0x73: {  	[sflag:s28] =	ssyncset.done $0x0  }
0x74: {  	[sflag:s28] =	ssyncadd.s32 $0xFFFFC000  }
0x75: {  	_ =	swait.ge [sflag:s0], $0xC00  }
0x76: {  	[sflag:s0] =	ssyncset.done $0x0  }
0x77: {  	[sflag:s0] =	ssyncadd.s32 $0xFFFFF400  }
0x78: {  	_ =	swait.ge [sflag:s0], $0xC00  }
0x79: {  	p0 =	seq.s32 s9, $0x4;
	[sflag:s0] =	ssyncset.done $0x0  }
0x7a: {  	s10 =	smul.u32 @!p0 $0x1800, s9;
	[sflag:s0] =	ssyncadd.s32 $0xFFFFF400  }
0x7b: {  	[tilespmem:s19], [sflag:$0x1] =	stream.indirect.gather [hbm4b:s14+s22], $0x80, s17, s22, $0xb8;
	[tilespmem:$0x1F000] =	vst v63  }
0x7c: {  	_ =	swait.ge [sflag:s29], $0x4000  }
0x7d: {  	s10 =	sshrl.u32 @!p0 s10, $0x3;
	[sflag:s29] =	ssyncset.done $0x0  }
0x7e: {  	s10 =	sadd.s32 @!p0 $0x300, s10;
	[sflag:s29] =	ssyncadd.s32 $0xFFFFC000  }
0x7f: {  	[tilespmem:s23], [sflag:$0x2] =	stream.indirect.gather [hbm4b:s14+s22], $0x80, s16, s22, $0xb8;
	[tilespmem:$0x1F000] =	vst v63  }
0x80: {  	s12 =	simm.s32 @!p0 $0x0;
	s11 =	sadd.s32 @!p0 s5, s10  }
0x81: {  	[tilespmem:s12], [sflag:$0x5] =	stream.linear.gather @!p0 [hbm4b:s11+s12], $0xC00, $0x38;
	[tilespmem:$0x1F000] =	vst v63  }
0x82: {  	s10 =	sadd.s32 @!p0 s6, s10;
	s11 =	simm.s32 @!p0 $0xC00  }
0x83: {  	[tilespmem:s11], [sflag:$0x5] =	stream.linear.gather @!p0 [hbm4b:s10+s12], $0xC00, $0x38;
	[tilespmem:$0x1F000] =	vst v63  }
0x84: {  	_ =	swait.ge [sflag:s25], $0x4000  }
0x85: {  	[sflag:s25] =	ssyncset.done $0x0  }
0x86: {  	s12 =	simm.s32 $0x2400;
	[sflag:s25] =	ssyncadd.s32 $0xFFFFC000  }
0x87: {  	[spmem:s1] =	stream.indirect.scatter.add.f32 [tilespmem:s19], [sflag:$0x3], $0x80, s12, s22, $0xb8;
	[tilespmem:$0x1F000] =	vst v63  }
0x88: {  	_ =	swait.ge [sflag:s26], $0x4000  }
0x89: {  	[sflag:s26] =	ssyncset.done $0x0  }
0x8a: {  	s11 =	simm.s32 $0x2480;
	[sflag:s26] =	ssyncadd.s32 $0xFFFFC000  }
0x8b: {  	[spmem:s1] =	stream.indirect.scatter.add.f32 [tilespmem:s23], [sflag:$0x4], $0x80, s11, s22, $0xb8;
	[tilespmem:$0x1F000] =	vst v63  }
0x8c: {  	_ =	swait.ge [sflag:s28], $0x4000  }
0x8d: {  	[sflag:s28] =	ssyncset.done $0x0  }
0x8e: {  	s12 =	simm.s32 $0x1900;
	[sflag:s28] =	ssyncadd.s32 $0xFFFFC000  }
0x8f: {  	[tilespmem:s19], [sflag:$0x1] =	stream.indirect.gather [hbm4b:s14+s22], $0x80, s12, s22, $0xb8;
	[tilespmem:$0x1F000] =	vst v63  }
0x90: {  	_ =	swait.ge [sflag:s29], $0x4000  }
0x91: {  	[sflag:s29] =	ssyncset.done $0x0  }
0x92: {  	s10 =	simm.s32 $0x400;
	s11 =	simm.s32 $0x1980;
	[sflag:s29] =	ssyncadd.s32 $0xFFFFC000  }
.LBB2_5:
0x93: {  	[tilespmem:s23], [sflag:$0x2] =	stream.indirect.gather [hbm4b:s14+s22], $0x80, s11, s22, $0xb8;
	[tilespmem:$0x1F000] =	vst v63  }
0x94: {  	s11 =	smov.u32 s10  }
0x95: {  	p1 =	sne.s32 s10, $0x2800;
	s10 =	sadd.s32 $0x400, s10;
	_ =	swait.ge [sflag:s25], $0x4000  }
0x96: {  	s11 =	sshra.s32 s11, $0x2;
	[sflag:s25] =	ssyncset.done $0x0  }
0x97: {  	s12 =	sadd.s32 $0x2400, s11;
	[sflag:s25] =	ssyncadd.s32 $0xFFFFC000  }
0x98: {  	[spmem:s1] =	stream.indirect.scatter.add.f32 [tilespmem:s19], [sflag:$0x3], $0x80, s12, s22, $0xb8;
	[tilespmem:$0x1F000] =	vst v63  }
0x99: {  	_ =	swait.ge [sflag:s26], $0x4000  }
0x9a: {  	[sflag:s26] =	ssyncset.done $0x0  }
0x9b: {  	s12 =	sadd.s32 $0x2480, s11;
	[sflag:s26] =	ssyncadd.s32 $0xFFFFC000  }
0x9c: {  	[spmem:s1] =	stream.indirect.scatter.add.f32 [tilespmem:s23], [sflag:$0x4], $0x80, s12, s22, $0xb8;
	[tilespmem:$0x1F000] =	vst v63  }
0x9d: {  	_ =	swait.ge [sflag:s28], $0x4000  }
0x9e: {  	[sflag:s28] =	ssyncset.done $0x0  }
.Ltmp3:
0x9f: {  	s12 =	sadd.s32 $0x1900, s11;
	[sflag:s28] =	ssyncadd.s32 $0xFFFFC000;
	(pc) =	sbr.rel @p1 .LBB2_5-.Ltmp3, $4  }
0xa0: {  	[tilespmem:s19], [sflag:$0x1] =	stream.indirect.gather [hbm4b:s14+s22], $0x80, s12, s22, $0xb8;
	[tilespmem:$0x1F000] =	vst v63  }
0xa1: {  	_ =	swait.ge [sflag:s29], $0x4000  }
0xa2: {  	[sflag:s29] =	ssyncset.done $0x0  }
0xa3: {  	s11 =	sadd.s32 $0x1980, s11;
	[sflag:s29] =	ssyncadd.s32 $0xFFFFC000  }
0xa4: {  	[tilespmem:s23], [sflag:$0x2] =	stream.indirect.gather [hbm4b:s14+s22], $0x80, s11, s22, $0xb8;
	[tilespmem:$0x1F000] =	vst v63  }
0xa5: {  	_ =	swait.ge [sflag:s25], $0x4000  }
0xa6: {  	[sflag:s25] =	ssyncset.done $0x0  }
0xa7: {  	[sflag:s25] =	ssyncadd.s32 $0xFFFFC000  }
0xa8: {  	[spmem:s1] =	stream.indirect.scatter.add.f32 [tilespmem:s19], [sflag:$0x3], $0x80, s2, s22, $0xb8;
	[tilespmem:$0x1F000] =	vst v63  }
0xa9: {  	_ =	swait.ge [sflag:s26], $0x4000  }
0xaa: {  	[sflag:s26] =	ssyncset.done $0x0  }
.Ltmp4:
0xab: {  	[sflag:s26] =	ssyncadd.s32 $0xFFFFC000;
	(pc) =	sbr.rel @p0 .LBB2_8-.Ltmp4, $4  }
0xac: {  	[spmem:s1] =	stream.indirect.scatter.add.f32 [tilespmem:s23], [sflag:$0x4], $0x80, s4, s22, $0xb8;
	[tilespmem:$0x1F000] =	vst v63  }
0xad: {  	_ =	swait.ge [sflag:s28], $0x4000  }
0xae: {  	[sflag:s28] =	ssyncset.done $0x0  }
0xaf: {  	[sflag:s28] =	ssyncadd.s32 $0xFFFFC000  }
0xb0: {  	_ =	swait.ge [sflag:s21], $0xC00  }
0xb1: {  	[sflag:s21] =	ssyncset.done $0x0  }
0xb2: {  	[sflag:s21] =	ssyncadd.s32 $0xFFFFF400  }
0xb3: {  	_ =	swait.ge [sflag:s21], $0xC00  }
0xb4: {  	[sflag:s21] =	ssyncset.done $0x0  }
0xb5: {  	[sflag:s21] =	ssyncadd.s32 $0xFFFFF400  }
0xb6: {  	[tilespmem:s19], [sflag:$0x1] =	stream.indirect.gather [hbm4b:s14+s22], $0x80, s3, s22, $0xb8;
	[tilespmem:$0x1F000] =	vst v63  }
0xb7: {  	s10 =	smul.u32 $0x1800, s9;
	_ =	swait.ge [sflag:s29], $0x4000  }
0xb8: {  	[sflag:s29] =	ssyncset.done $0x0  }
0xb9: {  	s10 =	sshrl.u32 s10, $0x3;
	[sflag:s29] =	ssyncadd.s32 $0xFFFFC000  }
0xba: {  	[tilespmem:s23], [sflag:$0x2] =	stream.indirect.gather [hbm4b:s14+s22], $0x80, s22, s22, $0xb8;
	[tilespmem:$0x1F000] =	vst v63  }
.Ltmp5:
0xbb: {  	s10 =	sadd.s32 $0x480, s10;
	(pc) =	sbr.rel .LBB2_2-.Ltmp5, $4  }
0xbc: {  	s11 =	sadd.s32 s5, s10  }
0xbd: {  	[tilespmem:s17], [sflag:$0x6] =	stream.linear.gather [hbm4b:s11+s3], $0xC00, $0x38;
	[tilespmem:$0x1F000] =	vst v63  }
0xbe: {  	s9 =	sadd.s32 $0x1, s9;
	s10 =	sadd.s32 s6, s10  }
0xbf: {  	[tilespmem:s18], [sflag:$0x6] =	stream.linear.gather [hbm4b:s10+s3], $0xC00, $0x38;
	[tilespmem:$0x1F000] =	vst v63  }
.LBB2_9:
0xc0: {  	_ =	sfence.sel $0x180000  }
0xc1: {  	[bflag:$0x0] =	sbarrier.arrive $0xFFFF  }
0xc2: {  	_ =	strace $0x90000047  }
0xc3: {  	s0 =	stileid.u32;
	[bflag:$0x2] =	sbarrier.arrive $0xFFFF  }
0xc4: {  	p0 =	sne.s32 s0, $0x0;
	s0 =	rddreg [dreg:$0x3]  }
0xc5: {  	s0 =	sadd.s32 @!p0 $0x100000, s0  }
0xc6: {  	[sflag:s0] =	ssyncadd.tile.s32 @!p0 $0x1;
	_ =	shalt  }
.Lfunc_end2:
_tile_overlayer_lowered:
.L_overlay_start_2:
0xc7: {  	(tag) =	ssettag $0x2  }
0xc8: {  	s0 =	rddreg [dreg:$0x0];
	s2 =	stileid.u32  }
0xc9: {  	s1 =	rddreg [dreg:$0x1];
	p0 =	sne.s32 s2, $0x0  }
0xca: {  	s3 =	rddreg [dreg:$0x2];
	[bflag:$0x3] =	sbarrier.arrive $0xFFFF;
	s2 =	simm.s32 @!p0 $0x1C07  }
0xcb: {  	[timem:s3], [sflag:s2] =	dma.local @!p0 [hbm:s0], s1  }
0xcc: {  	s0 =	simm.s32 @!p0 $0x7  }
0xcd: {  	_ =	swait.ge @!p0 [sflag:s0], s1  }
0xce: {  	s1 =	ssub.s32 @!p0 $0x0, s1;
	[sflag:s0] =	ssyncset.done @!p0 $0x0  }
0xcf: {  	[sflag:s0] =	ssyncadd.s32 @!p0 s1  }
0xd0: {  	[bflag:$0x3] =	sbarrier.arrive $0xFFFF  }
0xd1: {  	_ =	shalt  }

</sc_bundles>
